<compile_context>
chip_gen: v7x
topology: tpu7x:2x2x1
jax: 0.10.2.dev20260603
libtpu: 0.0.44.dev20260713+nightly
codegen_flags: <defaults>
</compile_context>

<pallas_src>
import functools

import jax
import jax.numpy as jnp
from jax import lax
from jax.experimental import pallas as pl
from jax.experimental.pallas import tpu as pltpu
from jax.experimental.pallas import tpu_sc as plsc


@functools.lru_cache(maxsize=None)
def _build_gather(V, D, B, S):
    info = plsc.get_sparse_core_info()
    NC, NS = info.num_cores, info.num_subcores
    NW = NC * NS
    N = B * S
    assert N % (8 * NW) == 0
    BPW = N // NW
    assert S % BPW == 0
    SPB = S // BPW
    C = 16
    NBUF = 6
    NCHUNK = BPW // C
    assert BPW % C == 0

    mesh = plsc.VectorSubcoreMesh(core_axis_name="c", subcore_axis_name="s")

    @functools.partial(
        pl.kernel,
        mesh=mesh,
        out_type=jax.ShapeDtypeStruct((N, D), jnp.float32),
        scratch_types=[
            pltpu.VMEM((BPW,), jnp.int32),
            pltpu.VMEM((NBUF, C, D), jnp.float32),
        ] + [pltpu.SemaphoreType.DMA] * (2 * NBUF),
    )
    def gather(table_hbm, ids_hbm, out_hbm, idx_v, rows_v, *sems):
        gsem = sems[:NBUF]
        ssem = sems[NBUF:]
        wid = lax.axis_index("s") * NC + lax.axis_index("c")
        base = wid * BPW
        row = wid // SPB
        col = (wid % SPB) * BPW

        def start_gather(g):
            b = g % NBUF
            return pltpu.async_copy(
                table_hbm.at[idx_v.at[pl.ds(g * C, C)]], rows_v.at[b],
                gsem[b])

        AHEAD = NBUF - 1
        gathers = {}
        scatters = {}
        pltpu.sync_copy(ids_hbm.at[row, pl.ds(col, BPW)], idx_v)
        for g in range(min(AHEAD, NCHUNK)):
            gathers[g] = start_gather(g)
        for g in range(NCHUNK):
            b = g % NBUF
            nxt = g + AHEAD
            if nxt < NCHUNK:
                if nxt >= NBUF:
                    scatters[nxt - NBUF].wait()
                gathers[nxt] = start_gather(nxt)
            gathers[g].wait()
            scatters[g] = pltpu.async_copy(
                rows_v.at[b], out_hbm.at[pl.ds(base + g * C, C)], ssem[b])
        for g in range(max(0, NCHUNK - NBUF), NCHUNK):
            scatters[g].wait()

    return gather


def kernel(input_ids, embed_table):
    B, S = input_ids.shape
    V, D = embed_table.shape
    ids = input_ids.astype(jnp.int32)
    out = _build_gather(V, D, B, S)(embed_table, ids)
    return out.reshape(B, S, D)

# --- scband reference (transcript-rebuilt; emitter-appended) ---
"""Pipeline reference for scband-funasr-nano-decoder-embed-19688130085124 (READ-ONLY COPY).

The authoritative reference and input builder live on the scoring server;
editing this copy changes nothing except your own understanding.
"""

import jax, jax.numpy as jnp
import numpy as np

VOCAB = 100000
DIM = 1024
BATCH = 4
SEQ = 2048

def setup_inputs(seed: int = 0) -> dict:
    key = jax.random.key(seed)
    k_ids, k_tab = jax.random.split(key)
    input_ids = jax.random.randint(k_ids, (BATCH, SEQ), 0, VOCAB, dtype=jnp.int64) if jax.config.jax_enable_x64 else jax.random.randint(k_ids, (BATCH, SEQ), 0, VOCAB, dtype=jnp.int32)
    embed_table = jax.random.normal(k_tab, (VOCAB, DIM), dtype=jnp.float32) * 0.02
    return {"input_ids": input_ids, "embed_table": embed_table}

def reference(input_ids, embed_table):
    # Faithful translation of nn.Embedding forward: row gather from table.
    return jnp.take(embed_table, input_ids, axis=0)

if __name__ == "__main__":
    import jax
    _d = setup_inputs()
    print(jax.jit(kernel)(*tuple(_d.values())))

</pallas_src>

<mosaic_0001>
#map = affine_map<(d0, d1) -> (0, 0)>
module attributes {stable_mosaic.version = 14 : i64} {
  func.func @gather(%arg0: i32, %arg1: i32, %arg2: memref<100000x1024xf32, #tpu.memory_space<hbm>>, %arg3: memref<4x2048xi32, #tpu.memory_space<hbm>>, %arg4: memref<8192x1024xf32, #tpu.memory_space<hbm>>, %arg5: memref<256xi32, #tpu.memory_space<vmem>>, %arg6: memref<6x16x1024xf32, #tpu.memory_space<vmem>>, %arg7: memref<!tpu.dma_semaphore, #tpu.memory_space<semaphore_mem>>, %arg8: memref<!tpu.dma_semaphore, #tpu.memory_space<semaphore_mem>>, %arg9: memref<!tpu.dma_semaphore, #tpu.memory_space<semaphore_mem>>, %arg10: memref<!tpu.dma_semaphore, #tpu.memory_space<semaphore_mem>>, %arg11: memref<!tpu.dma_semaphore, #tpu.memory_space<semaphore_mem>>, %arg12: memref<!tpu.dma_semaphore, #tpu.memory_space<semaphore_mem>>, %arg13: memref<!tpu.dma_semaphore, #tpu.memory_space<semaphore_mem>>, %arg14: memref<!tpu.dma_semaphore, #tpu.memory_space<semaphore_mem>>, %arg15: memref<!tpu.dma_semaphore, #tpu.memory_space<semaphore_mem>>, %arg16: memref<!tpu.dma_semaphore, #tpu.memory_space<semaphore_mem>>, %arg17: memref<!tpu.dma_semaphore, #tpu.memory_space<semaphore_mem>>, %arg18: memref<!tpu.dma_semaphore, #tpu.memory_space<semaphore_mem>>) attributes {dimension_semantics = [#tpu.dimension_semantics<core_parallel>, #tpu.dimension_semantics<subcore_parallel>], iteration_bounds = array<i64: 2, 16>, scalar_prefetch = 0 : i64, scratch_operands = 14 : i64, tpu.core_type = #tpu.core_type<sc_vector_subcore>, window_params = [{transform_indices = #map}, {transform_indices = #map}, {transform_indices = #map}]} {
    %mul3A = arith.constant 2 : i32
    %mul3A_0 = arith.muli %arg1, %mul3A : i32
    %add3A = arith.addi %mul3A_0, %arg0 : i32
    %mul3A_1 = arith.constant 256 : i32
    %mul3A_2 = arith.muli %add3A, %mul3A_1 : i32
    %jit3A = arith.constant 8 : i32
    %div3A = arith.divsi %add3A, %jit3A : i32
    %sign3A = arith.constant 0 : i32
    %sign3A_3 = arith.cmpi sgt, %add3A, %sign3A : i32
    %sign3A_4 = arith.extui %sign3A_3 : i1 to i32
    %sign3A_5 = arith.constant 0 : i32
    %sign3A_6 = arith.cmpi slt, %add3A, %sign3A_5 : i32
    %sign3A_7 = arith.extui %sign3A_6 : i1 to i32
    %sign3A_8 = arith.subi %sign3A_4, %sign3A_7 : i32
    %sign3A_9 = arith.constant 0 : i32
    %sign3A_10 = arith.cmpi sgt, %jit3A, %sign3A_9 : i32
    %sign3A_11 = arith.extui %sign3A_10 : i1 to i32
    %sign3A_12 = arith.constant 0 : i32
    %sign3A_13 = arith.cmpi slt, %jit3A, %sign3A_12 : i32
    %sign3A_14 = arith.extui %sign3A_13 : i1 to i32
    %sign3A_15 = arith.subi %sign3A_11, %sign3A_14 : i32
    %ne3A = arith.cmpi ne, %sign3A_8, %sign3A_15 : i32
    %rem3A = arith.remsi %add3A, %jit3A : i32
    %ne3A_16 = arith.constant 0 : i32
    %ne3A_17 = arith.cmpi ne, %rem3A, %ne3A_16 : i32
    %and3A = arith.andi %ne3A, %ne3A_17 : i1
    %sub3A = arith.constant 1 : i32
    %sub3A_18 = arith.subi %div3A, %sub3A : i32
    %select_n3A = arith.select %and3A, %sub3A_18, %div3A : i32
    %jit3A_19 = arith.constant 8 : i32
    %eq3A = arith.constant 0 : i32
    %eq3A_20 = arith.cmpi eq, %jit3A_19, %eq3A : i32
    %jit3A_21 = arith.constant 1 : i32
    %select_n3A_22 = arith.select %eq3A_20, %jit3A_21, %jit3A_19 : i32
    %rem3A_23 = arith.remsi %add3A, %select_n3A_22 : i32
    %ne3A_24 = arith.constant 0 : i32
    %ne3A_25 = arith.cmpi ne, %rem3A_23, %ne3A_24 : i32
    %lt3A = arith.constant 0 : i32
    %lt3A_26 = arith.cmpi slt, %rem3A_23, %lt3A : i32
    %lt3A_27 = arith.constant 0 : i32
    %lt3A_28 = arith.cmpi slt, %select_n3A_22, %lt3A_27 : i32
    %ne3A_29 = arith.xori %lt3A_26, %lt3A_28 : i1
    %and3A_30 = arith.andi %ne3A_29, %ne3A_25 : i1
    %add3A_31 = arith.addi %rem3A_23, %select_n3A_22 : i32
    %select_n3A_32 = arith.select %and3A_30, %add3A_31, %rem3A_23 : i32
    %mul3A_33 = arith.constant 256 : i32
    %mul3A_34 = arith.muli %select_n3A_32, %mul3A_33 : i32
    "tpu.region"() ({
      %run_scoped3A = tpu.sem_alloc : memref<!tpu.dma_semaphore, #tpu.memory_space<semaphore_mem>>
      %dma_start3A_801 = tpu.memref_slice %arg3[%select_n3A, %mul3A_34] : memref<4x2048xi32, #tpu.memory_space<hbm>> -> memref<1x256xi32, #tpu.memory_space<hbm>>
      %dma_start3A_802 = tpu.memref_squeeze %dma_start3A_801 : memref<1x256xi32, #tpu.memory_space<hbm>> -> memref<256xi32, #tpu.memory_space<hbm>>
      %dma_start3A_803 = tpu.memref_slice %arg3[%select_n3A, %mul3A_34] : memref<4x2048xi32, #tpu.memory_space<hbm>> -> memref<1x256xi32, #tpu.memory_space<hbm>>
      %dma_start3A_804 = tpu.memref_squeeze %dma_start3A_803 : memref<1x256xi32, #tpu.memory_space<hbm>> -> memref<256xi32, #tpu.memory_space<hbm>>
      tpu.enqueue_dma source(%dma_start3A_804 : memref<256xi32, #tpu.memory_space<hbm>>) target(%arg5 : memref<256xi32, #tpu.memory_space<vmem>>) target_semaphore(%run_scoped3A : memref<!tpu.dma_semaphore, #tpu.memory_space<semaphore_mem>>)
      %dma_wait3A_805 = tpu.memref_slice %arg3[%select_n3A, %mul3A_34] : memref<4x2048xi32, #tpu.memory_space<hbm>> -> memref<1x256xi32, #tpu.memory_space<hbm>>
      %dma_wait3A_806 = tpu.memref_squeeze %dma_wait3A_805 : memref<1x256xi32, #tpu.memory_space<hbm>> -> memref<256xi32, #tpu.memory_space<hbm>>
      %dma_wait3A_807 = tpu.memref_slice %arg3[%select_n3A, %mul3A_34] : memref<4x2048xi32, #tpu.memory_space<hbm>> -> memref<1x256xi32, #tpu.memory_space<hbm>>
      %dma_wait3A_808 = tpu.memref_squeeze %dma_wait3A_807 : memref<1x256xi32, #tpu.memory_space<hbm>> -> memref<256xi32, #tpu.memory_space<hbm>>
      tpu.wait_dma2 semaphore(%run_scoped3A : memref<!tpu.dma_semaphore, #tpu.memory_space<semaphore_mem>>) src(%dma_wait3A_808 : memref<256xi32, #tpu.memory_space<hbm>>) dst(%arg5 : memref<256xi32, #tpu.memory_space<vmem>>)
      tpu.yield
    }) : () -> ()
    %dma_start3A = arith.constant 0 : i32
    %dma_start3A_35 = arith.constant 0 : i32
    %dma_start3A_36 = arith.constant 0 : i32
    %dma_start3A_37 = tpu.memref_slice %arg6[%dma_start3A, %dma_start3A_35, %dma_start3A_36] : memref<6x16x1024xf32, #tpu.memory_space<vmem>> -> memref<1x16x1024xf32, #tpu.memory_space<vmem>>
    %dma_start3A_38 = tpu.memref_squeeze %dma_start3A_37 : memref<1x16x1024xf32, #tpu.memory_space<vmem>> -> memref<16x1024xf32, #tpu.memory_space<vmem>>
    %dma_start3A_39 = arith.constant 0 : i32
    %dma_start3A_40 = tpu.memref_slice %arg5[%dma_start3A_39] : memref<256xi32, #tpu.memory_space<vmem>> -> memref<16xi32, #tpu.memory_space<vmem>>
    %dma_start3A_41 = arith.constant 0 : i32
    %dma_start3A_42 = arith.constant 0 : i32
    %dma_start3A_43 = tpu.memref_slice %arg2[%dma_start3A_41, %dma_start3A_42] : memref<100000x1024xf32, #tpu.memory_space<hbm>> -> memref<100000x1024xf32, #tpu.memory_space<hbm>>
    tpu.enqueue_indirect_dma source(%dma_start3A_43 : memref<100000x1024xf32, #tpu.memory_space<hbm>>) target(%dma_start3A_38 : memref<16x1024xf32, #tpu.memory_space<vmem>>) offsets(%dma_start3A_40 : memref<16xi32, #tpu.memory_space<vmem>>) semaphore(%arg7 : memref<!tpu.dma_semaphore, #tpu.memory_space<semaphore_mem>>)
    %dma_start3A_44 = arith.constant 1 : i32
    %dma_start3A_45 = arith.constant 0 : i32
    %dma_start3A_46 = arith.constant 0 : i32
    %dma_start3A_47 = tpu.memref_slice %arg6[%dma_start3A_44, %dma_start3A_45, %dma_start3A_46] : memref<6x16x1024xf32, #tpu.memory_space<vmem>> -> memref<1x16x1024xf32, #tpu.memory_space<vmem>>
    %dma_start3A_48 = tpu.memref_squeeze %dma_start3A_47 : memref<1x16x1024xf32, #tpu.memory_space<vmem>> -> memref<16x1024xf32, #tpu.memory_space<vmem>>
    %dma_start3A_49 = arith.constant 16 : i32
    %dma_start3A_50 = tpu.memref_slice %arg5[%dma_start3A_49] : memref<256xi32, #tpu.memory_space<vmem>> -> memref<16xi32, #tpu.memory_space<vmem>>
    %dma_start3A_51 = arith.constant 0 : i32
    %dma_start3A_52 = arith.constant 0 : i32
    %dma_start3A_53 = tpu.memref_slice %arg2[%dma_start3A_51, %dma_start3A_52] : memref<100000x1024xf32, #tpu.memory_space<hbm>> -> memref<100000x1024xf32, #tpu.memory_space<hbm>>
    tpu.enqueue_indirect_dma source(%dma_start3A_53 : memref<100000x1024xf32, #tpu.memory_space<hbm>>) target(%dma_start3A_48 : memref<16x1024xf32, #tpu.memory_space<vmem>>) offsets(%dma_start3A_50 : memref<16xi32, #tpu.memory_space<vmem>>) semaphore(%arg8 : memref<!tpu.dma_semaphore, #tpu.memory_space<semaphore_mem>>)
    %dma_start3A_54 = arith.constant 2 : i32
    %dma_start3A_55 = arith.constant 0 : i32
    %dma_start3A_56 = arith.constant 0 : i32
    %dma_start3A_57 = tpu.memref_slice %arg6[%dma_start3A_54, %dma_start3A_55, %dma_start3A_56] : memref<6x16x1024xf32, #tpu.memory_space<vmem>> -> memref<1x16x1024xf32, #tpu.memory_space<vmem>>
    %dma_start3A_58 = tpu.memref_squeeze %dma_start3A_57 : memref<1x16x1024xf32, #tpu.memory_space<vmem>> -> memref<16x1024xf32, #tpu.memory_space<vmem>>
    %dma_start3A_59 = arith.constant 32 : i32
    %dma_start3A_60 = tpu.memref_slice %arg5[%dma_start3A_59] : memref<256xi32, #tpu.memory_space<vmem>> -> memref<16xi32, #tpu.memory_space<vmem>>
    %dma_start3A_61 = arith.constant 0 : i32
    %dma_start3A_62 = arith.constant 0 : i32
    %dma_start3A_63 = tpu.memref_slice %arg2[%dma_start3A_61, %dma_start3A_62] : memref<100000x1024xf32, #tpu.memory_space<hbm>> -> memref<100000x1024xf32, #tpu.memory_space<hbm>>
    tpu.enqueue_indirect_dma source(%dma_start3A_63 : memref<100000x1024xf32, #tpu.memory_space<hbm>>) target(%dma_start3A_58 : memref<16x1024xf32, #tpu.memory_space<vmem>>) offsets(%dma_start3A_60 : memref<16xi32, #tpu.memory_space<vmem>>) semaphore(%arg9 : memref<!tpu.dma_semaphore, #tpu.memory_space<semaphore_mem>>)
    %dma_start3A_64 = arith.constant 3 : i32
    %dma_start3A_65 = arith.constant 0 : i32
    %dma_start3A_66 = arith.constant 0 : i32
    %dma_start3A_67 = tpu.memref_slice %arg6[%dma_start3A_64, %dma_start3A_65, %dma_start3A_66] : memref<6x16x1024xf32, #tpu.memory_space<vmem>> -> memref<1x16x1024xf32, #tpu.memory_space<vmem>>
    %dma_start3A_68 = tpu.memref_squeeze %dma_start3A_67 : memref<1x16x1024xf32, #tpu.memory_space<vmem>> -> memref<16x1024xf32, #tpu.memory_space<vmem>>
    %dma_start3A_69 = arith.constant 48 : i32
    %dma_start3A_70 = tpu.memref_slice %arg5[%dma_start3A_69] : memref<256xi32, #tpu.memory_space<vmem>> -> memref<16xi32, #tpu.memory_space<vmem>>
    %dma_start3A_71 = arith.constant 0 : i32
    %dma_start3A_72 = arith.constant 0 : i32
    %dma_start3A_73 = tpu.memref_slice %arg2[%dma_start3A_71, %dma_start3A_72] : memref<100000x1024xf32, #tpu.memory_space<hbm>> -> memref<100000x1024xf32, #tpu.memory_space<hbm>>
    tpu.enqueue_indirect_dma source(%dma_start3A_73 : memref<100000x1024xf32, #tpu.memory_space<hbm>>) target(%dma_start3A_68 : memref<16x1024xf32, #tpu.memory_space<vmem>>) offsets(%dma_start3A_70 : memref<16xi32, #tpu.memory_space<vmem>>) semaphore(%arg10 : memref<!tpu.dma_semaphore, #tpu.memory_space<semaphore_mem>>)
    %dma_start3A_74 = arith.constant 4 : i32
    %dma_start3A_75 = arith.constant 0 : i32
    %dma_start3A_76 = arith.constant 0 : i32
    %dma_start3A_77 = tpu.memref_slice %arg6[%dma_start3A_74, %dma_start3A_75, %dma_start3A_76] : memref<6x16x1024xf32, #tpu.memory_space<vmem>> -> memref<1x16x1024xf32, #tpu.memory_space<vmem>>
    %dma_start3A_78 = tpu.memref_squeeze %dma_start3A_77 : memref<1x16x1024xf32, #tpu.memory_space<vmem>> -> memref<16x1024xf32, #tpu.memory_space<vmem>>
    %dma_start3A_79 = arith.constant 64 : i32
    %dma_start3A_80 = tpu.memref_slice %arg5[%dma_start3A_79] : memref<256xi32, #tpu.memory_space<vmem>> -> memref<16xi32, #tpu.memory_space<vmem>>
    %dma_start3A_81 = arith.constant 0 : i32
    %dma_start3A_82 = arith.constant 0 : i32
    %dma_start3A_83 = tpu.memref_slice %arg2[%dma_start3A_81, %dma_start3A_82] : memref<100000x1024xf32, #tpu.memory_space<hbm>> -> memref<100000x1024xf32, #tpu.memory_space<hbm>>
    tpu.enqueue_indirect_dma source(%dma_start3A_83 : memref<100000x1024xf32, #tpu.memory_space<hbm>>) target(%dma_start3A_78 : memref<16x1024xf32, #tpu.memory_space<vmem>>) offsets(%dma_start3A_80 : memref<16xi32, #tpu.memory_space<vmem>>) semaphore(%arg11 : memref<!tpu.dma_semaphore, #tpu.memory_space<semaphore_mem>>)
    %dma_start3A_84 = arith.constant 5 : i32
    %dma_start3A_85 = arith.constant 0 : i32
    %dma_start3A_86 = arith.constant 0 : i32
    %dma_start3A_87 = tpu.memref_slice %arg6[%dma_start3A_84, %dma_start3A_85, %dma_start3A_86] : memref<6x16x1024xf32, #tpu.memory_space<vmem>> -> memref<1x16x1024xf32, #tpu.memory_space<vmem>>
    %dma_start3A_88 = tpu.memref_squeeze %dma_start3A_87 : memref<1x16x1024xf32, #tpu.memory_space<vmem>> -> memref<16x1024xf32, #tpu.memory_space<vmem>>
    %dma_start3A_89 = arith.constant 80 : i32
    %dma_start3A_90 = tpu.memref_slice %arg5[%dma_start3A_89] : memref<256xi32, #tpu.memory_space<vmem>> -> memref<16xi32, #tpu.memory_space<vmem>>
    %dma_start3A_91 = arith.constant 0 : i32
    %dma_start3A_92 = arith.constant 0 : i32
    %dma_start3A_93 = tpu.memref_slice %arg2[%dma_start3A_91, %dma_start3A_92] : memref<100000x1024xf32, #tpu.memory_space<hbm>> -> memref<100000x1024xf32, #tpu.memory_space<hbm>>
    tpu.enqueue_indirect_dma source(%dma_start3A_93 : memref<100000x1024xf32, #tpu.memory_space<hbm>>) target(%dma_start3A_88 : memref<16x1024xf32, #tpu.memory_space<vmem>>) offsets(%dma_start3A_90 : memref<16xi32, #tpu.memory_space<vmem>>) semaphore(%arg12 : memref<!tpu.dma_semaphore, #tpu.memory_space<semaphore_mem>>)
    %dma_wait3A = arith.constant 0 : i32
    %dma_wait3A_94 = arith.constant 0 : i32
    %dma_wait3A_95 = arith.constant 0 : i32
    %dma_wait3A_96 = tpu.memref_slice %arg6[%dma_wait3A, %dma_wait3A_94, %dma_wait3A_95] : memref<6x16x1024xf32, #tpu.memory_space<vmem>> -> memref<1x16x1024xf32, #tpu.memory_space<vmem>>
    %dma_wait3A_97 = tpu.memref_squeeze %dma_wait3A_96 : memref<1x16x1024xf32, #tpu.memory_space<vmem>> -> memref<16x1024xf32, #tpu.memory_space<vmem>>
    %dma_wait3A_98 = arith.constant 0 : i32
    %dma_wait3A_99 = tpu.memref_slice %arg5[%dma_wait3A_98] : memref<256xi32, #tpu.memory_space<vmem>> -> memref<16xi32, #tpu.memory_space<vmem>>
    %dma_wait3A_100 = arith.constant 0 : i32
    %dma_wait3A_101 = arith.constant 0 : i32
    %dma_wait3A_102 = tpu.memref_slice %arg2[%dma_wait3A_100, %dma_wait3A_101] : memref<100000x1024xf32, #tpu.memory_space<hbm>> -> memref<100000x1024xf32, #tpu.memory_space<hbm>>
    tpu.wait_indirect_dma semaphore(%arg7 : memref<!tpu.dma_semaphore, #tpu.memory_space<semaphore_mem>>) src(%dma_wait3A_102 : memref<100000x1024xf32, #tpu.memory_space<hbm>>) dst(%dma_wait3A_97 : memref<16x1024xf32, #tpu.memory_space<vmem>>)
    %add3A_103 = arith.constant 0 : i32
    %add3A_104 = arith.addi %mul3A_2, %add3A_103 : i32
    %dma_start3A_105 = arith.constant 0 : i32
    %dma_start3A_106 = arith.constant 0 : i32
    %dma_start3A_107 = arith.constant 0 : i32
    %dma_start3A_108 = tpu.memref_slice %arg6[%dma_start3A_105, %dma_start3A_106, %dma_start3A_107] : memref<6x16x1024xf32, #tpu.memory_space<vmem>> -> memref<1x16x1024xf32, #tpu.memory_space<vmem>>
    %dma_start3A_109 = tpu.memref_squeeze %dma_start3A_108 : memref<1x16x1024xf32, #tpu.memory_space<vmem>> -> memref<16x1024xf32, #tpu.memory_space<vmem>>
    %dma_start3A_110 = arith.constant 0 : i32
    %dma_start3A_111 = tpu.memref_slice %arg4[%add3A_104, %dma_start3A_110] : memref<8192x1024xf32, #tpu.memory_space<hbm>> -> memref<16x1024xf32, #tpu.memory_space<hbm>>
    %dma_start3A_112 = arith.constant 0 : i32
    %dma_start3A_113 = tpu.memref_slice %arg4[%add3A_104, %dma_start3A_112] : memref<8192x1024xf32, #tpu.memory_space<hbm>> -> memref<16x1024xf32, #tpu.memory_space<hbm>>
    %dma_start3A_114 = arith.constant 0 : i32
    %dma_start3A_115 = arith.constant 0 : i32
    %dma_start3A_116 = tpu.memref_slice %arg6[%dma_start3A_105, %dma_start3A_114, %dma_start3A_115] : memref<6x16x1024xf32, #tpu.memory_space<vmem>> -> memref<1x16x1024xf32, #tpu.memory_space<vmem>>
    %dma_start3A_117 = tpu.memref_squeeze %dma_start3A_116 : memref<1x16x1024xf32, #tpu.memory_space<vmem>> -> memref<16x1024xf32, #tpu.memory_space<vmem>>
    tpu.enqueue_dma source(%dma_start3A_117 : memref<16x1024xf32, #tpu.memory_space<vmem>>) target(%dma_start3A_113 : memref<16x1024xf32, #tpu.memory_space<hbm>>) target_semaphore(%arg13 : memref<!tpu.dma_semaphore, #tpu.memory_space<semaphore_mem>>)
    %dma_wait3A_118 = arith.constant 0 : i32
    %dma_wait3A_119 = arith.constant 0 : i32
    %dma_wait3A_120 = arith.constant 0 : i32
    %dma_wait3A_121 = tpu.memref_slice %arg6[%dma_wait3A_118, %dma_wait3A_119, %dma_wait3A_120] : memref<6x16x1024xf32, #tpu.memory_space<vmem>> -> memref<1x16x1024xf32, #tpu.memory_space<vmem>>
    %dma_wait3A_122 = tpu.memref_squeeze %dma_wait3A_121 : memref<1x16x1024xf32, #tpu.memory_space<vmem>> -> memref<16x1024xf32, #tpu.memory_space<vmem>>
    %dma_wait3A_123 = arith.constant 0 : i32
    %dma_wait3A_124 = tpu.memref_slice %arg4[%add3A_104, %dma_wait3A_123] : memref<8192x1024xf32, #tpu.memory_space<hbm>> -> memref<16x1024xf32, #tpu.memory_space<hbm>>
    %dma_wait3A_125 = arith.constant 0 : i32
    %dma_wait3A_126 = tpu.memref_slice %arg4[%add3A_104, %dma_wait3A_125] : memref<8192x1024xf32, #tpu.memory_space<hbm>> -> memref<16x1024xf32, #tpu.memory_space<hbm>>
    %dma_wait3A_127 = arith.constant 0 : i32
    %dma_wait3A_128 = arith.constant 0 : i32
    %dma_wait3A_129 = tpu.memref_slice %arg6[%dma_wait3A_118, %dma_wait3A_127, %dma_wait3A_128] : memref<6x16x1024xf32, #tpu.memory_space<vmem>> -> memref<1x16x1024xf32, #tpu.memory_space<vmem>>
    %dma_wait3A_130 = tpu.memref_squeeze %dma_wait3A_129 : memref<1x16x1024xf32, #tpu.memory_space<vmem>> -> memref<16x1024xf32, #tpu.memory_space<vmem>>
    tpu.wait_dma2 semaphore(%arg13 : memref<!tpu.dma_semaphore, #tpu.memory_space<semaphore_mem>>) src(%dma_wait3A_130 : memref<16x1024xf32, #tpu.memory_space<vmem>>) dst(%dma_wait3A_126 : memref<16x1024xf32, #tpu.memory_space<hbm>>)
    %dma_start3A_131 = arith.constant 0 : i32
    %dma_start3A_132 = arith.constant 0 : i32
    %dma_start3A_133 = arith.constant 0 : i32
    %dma_start3A_134 = tpu.memref_slice %arg6[%dma_start3A_131, %dma_start3A_132, %dma_start3A_133] : memref<6x16x1024xf32, #tpu.memory_space<vmem>> -> memref<1x16x1024xf32, #tpu.memory_space<vmem>>
    %dma_start3A_135 = tpu.memref_squeeze %dma_start3A_134 : memref<1x16x1024xf32, #tpu.memory_space<vmem>> -> memref<16x1024xf32, #tpu.memory_space<vmem>>
    %dma_start3A_136 = arith.constant 96 : i32
    %dma_start3A_137 = tpu.memref_slice %arg5[%dma_start3A_136] : memref<256xi32, #tpu.memory_space<vmem>> -> memref<16xi32, #tpu.memory_space<vmem>>
    %dma_start3A_138 = arith.constant 0 : i32
    %dma_start3A_139 = arith.constant 0 : i32
    %dma_start3A_140 = tpu.memref_slice %arg2[%dma_start3A_138, %dma_start3A_139] : memref<100000x1024xf32, #tpu.memory_space<hbm>> -> memref<100000x1024xf32, #tpu.memory_space<hbm>>
    tpu.enqueue_indirect_dma source(%dma_start3A_140 : memref<100000x1024xf32, #tpu.memory_space<hbm>>) target(%dma_start3A_135 : memref<16x1024xf32, #tpu.memory_space<vmem>>) offsets(%dma_start3A_137 : memref<16xi32, #tpu.memory_space<vmem>>) semaphore(%arg7 : memref<!tpu.dma_semaphore, #tpu.memory_space<semaphore_mem>>)
    %dma_wait3A_141 = arith.constant 1 : i32
    %dma_wait3A_142 = arith.constant 0 : i32
    %dma_wait3A_143 = arith.constant 0 : i32
    %dma_wait3A_144 = tpu.memref_slice %arg6[%dma_wait3A_141, %dma_wait3A_142, %dma_wait3A_143] : memref<6x16x1024xf32, #tpu.memory_space<vmem>> -> memref<1x16x1024xf32, #tpu.memory_space<vmem>>
    %dma_wait3A_145 = tpu.memref_squeeze %dma_wait3A_144 : memref<1x16x1024xf32, #tpu.memory_space<vmem>> -> memref<16x1024xf32, #tpu.memory_space<vmem>>
    %dma_wait3A_146 = arith.constant 16 : i32
    %dma_wait3A_147 = tpu.memref_slice %arg5[%dma_wait3A_146] : memref<256xi32, #tpu.memory_space<vmem>> -> memref<16xi32, #tpu.memory_space<vmem>>
    %dma_wait3A_148 = arith.constant 0 : i32
    %dma_wait3A_149 = arith.constant 0 : i32
    %dma_wait3A_150 = tpu.memref_slice %arg2[%dma_wait3A_148, %dma_wait3A_149] : memref<100000x1024xf32, #tpu.memory_space<hbm>> -> memref<100000x1024xf32, #tpu.memory_space<hbm>>
    tpu.wait_indirect_dma semaphore(%arg8 : memref<!tpu.dma_semaphore, #tpu.memory_space<semaphore_mem>>) src(%dma_wait3A_150 : memref<100000x1024xf32, #tpu.memory_space<hbm>>) dst(%dma_wait3A_145 : memref<16x1024xf32, #tpu.memory_space<vmem>>)
    %add3A_151 = arith.constant 16 : i32
    %add3A_152 = arith.addi %mul3A_2, %add3A_151 : i32
    %dma_start3A_153 = arith.constant 1 : i32
    %dma_start3A_154 = arith.constant 0 : i32
    %dma_start3A_155 = arith.constant 0 : i32
    %dma_start3A_156 = tpu.memref_slice %arg6[%dma_start3A_153, %dma_start3A_154, %dma_start3A_155] : memref<6x16x1024xf32, #tpu.memory_space<vmem>> -> memref<1x16x1024xf32, #tpu.memory_space<vmem>>
    %dma_start3A_157 = tpu.memref_squeeze %dma_start3A_156 : memref<1x16x1024xf32, #tpu.memory_space<vmem>> -> memref<16x1024xf32, #tpu.memory_space<vmem>>
    %dma_start3A_158 = arith.constant 0 : i32
    %dma_start3A_159 = tpu.memref_slice %arg4[%add3A_152, %dma_start3A_158] : memref<8192x1024xf32, #tpu.memory_space<hbm>> -> memref<16x1024xf32, #tpu.memory_space<hbm>>
    %dma_start3A_160 = arith.constant 0 : i32
    %dma_start3A_161 = tpu.memref_slice %arg4[%add3A_152, %dma_start3A_160] : memref<8192x1024xf32, #tpu.memory_space<hbm>> -> memref<16x1024xf32, #tpu.memory_space<hbm>>
    %dma_start3A_162 = arith.constant 0 : i32
    %dma_start3A_163 = arith.constant 0 : i32
    %dma_start3A_164 = tpu.memref_slice %arg6[%dma_start3A_153, %dma_start3A_162, %dma_start3A_163] : memref<6x16x1024xf32, #tpu.memory_space<vmem>> -> memref<1x16x1024xf32, #tpu.memory_space<vmem>>
    %dma_start3A_165 = tpu.memref_squeeze %dma_start3A_164 : memref<1x16x1024xf32, #tpu.memory_space<vmem>> -> memref<16x1024xf32, #tpu.memory_space<vmem>>
    tpu.enqueue_dma source(%dma_start3A_165 : memref<16x1024xf32, #tpu.memory_space<vmem>>) target(%dma_start3A_161 : memref<16x1024xf32, #tpu.memory_space<hbm>>) target_semaphore(%arg14 : memref<!tpu.dma_semaphore, #tpu.memory_space<semaphore_mem>>)
    %dma_wait3A_166 = arith.constant 1 : i32
    %dma_wait3A_167 = arith.constant 0 : i32
    %dma_wait3A_168 = arith.constant 0 : i32
    %dma_wait3A_169 = tpu.memref_slice %arg6[%dma_wait3A_166, %dma_wait3A_167, %dma_wait3A_168] : memref<6x16x1024xf32, #tpu.memory_space<vmem>> -> memref<1x16x1024xf32, #tpu.memory_space<vmem>>
    %dma_wait3A_170 = tpu.memref_squeeze %dma_wait3A_169 : memref<1x16x1024xf32, #tpu.memory_space<vmem>> -> memref<16x1024xf32, #tpu.memory_space<vmem>>
    %dma_wait3A_171 = arith.constant 0 : i32
    %dma_wait3A_172 = tpu.memref_slice %arg4[%add3A_152, %dma_wait3A_171] : memref<8192x1024xf32, #tpu.memory_space<hbm>> -> memref<16x1024xf32, #tpu.memory_space<hbm>>
    %dma_wait3A_173 = arith.constant 0 : i32
    %dma_wait3A_174 = tpu.memref_slice %arg4[%add3A_152, %dma_wait3A_173] : memref<8192x1024xf32, #tpu.memory_space<hbm>> -> memref<16x1024xf32, #tpu.memory_space<hbm>>
    %dma_wait3A_175 = arith.constant 0 : i32
    %dma_wait3A_176 = arith.constant 0 : i32
    %dma_wait3A_177 = tpu.memref_slice %arg6[%dma_wait3A_166, %dma_wait3A_175, %dma_wait3A_176] : memref<6x16x1024xf32, #tpu.memory_space<vmem>> -> memref<1x16x1024xf32, #tpu.memory_space<vmem>>
    %dma_wait3A_178 = tpu.memref_squeeze %dma_wait3A_177 : memref<1x16x1024xf32, #tpu.memory_space<vmem>> -> memref<16x1024xf32, #tpu.memory_space<vmem>>
    tpu.wait_dma2 semaphore(%arg14 : memref<!tpu.dma_semaphore, #tpu.memory_space<semaphore_mem>>) src(%dma_wait3A_178 : memref<16x1024xf32, #tpu.memory_space<vmem>>) dst(%dma_wait3A_174 : memref<16x1024xf32, #tpu.memory_space<hbm>>)
    %dma_start3A_179 = arith.constant 1 : i32
    %dma_start3A_180 = arith.constant 0 : i32
    %dma_start3A_181 = arith.constant 0 : i32
    %dma_start3A_182 = tpu.memref_slice %arg6[%dma_start3A_179, %dma_start3A_180, %dma_start3A_181] : memref<6x16x1024xf32, #tpu.memory_space<vmem>> -> memref<1x16x1024xf32, #tpu.memory_space<vmem>>
    %dma_start3A_183 = tpu.memref_squeeze %dma_start3A_182 : memref<1x16x1024xf32, #tpu.memory_space<vmem>> -> memref<16x1024xf32, #tpu.memory_space<vmem>>
    %dma_start3A_184 = arith.constant 112 : i32
    %dma_start3A_185 = tpu.memref_slice %arg5[%dma_start3A_184] : memref<256xi32, #tpu.memory_space<vmem>> -> memref<16xi32, #tpu.memory_space<vmem>>
    %dma_start3A_186 = arith.constant 0 : i32
    %dma_start3A_187 = arith.constant 0 : i32
    %dma_start3A_188 = tpu.memref_slice %arg2[%dma_start3A_186, %dma_start3A_187] : memref<100000x1024xf32, #tpu.memory_space<hbm>> -> memref<100000x1024xf32, #tpu.memory_space<hbm>>
    tpu.enqueue_indirect_dma source(%dma_start3A_188 : memref<100000x1024xf32, #tpu.memory_space<hbm>>) target(%dma_start3A_183 : memref<16x1024xf32, #tpu.memory_space<vmem>>) offsets(%dma_start3A_185 : memref<16xi32, #tpu.memory_space<vmem>>) semaphore(%arg8 : memref<!tpu.dma_semaphore, #tpu.memory_space<semaphore_mem>>)
    %dma_wait3A_189 = arith.constant 2 : i32
    %dma_wait3A_190 = arith.constant 0 : i32
    %dma_wait3A_191 = arith.constant 0 : i32
    %dma_wait3A_192 = tpu.memref_slice %arg6[%dma_wait3A_189, %dma_wait3A_190, %dma_wait3A_191] : memref<6x16x1024xf32, #tpu.memory_space<vmem>> -> memref<1x16x1024xf32, #tpu.memory_space<vmem>>
    %dma_wait3A_193 = tpu.memref_squeeze %dma_wait3A_192 : memref<1x16x1024xf32, #tpu.memory_space<vmem>> -> memref<16x1024xf32, #tpu.memory_space<vmem>>
    %dma_wait3A_194 = arith.constant 32 : i32
    %dma_wait3A_195 = tpu.memref_slice %arg5[%dma_wait3A_194] : memref<256xi32, #tpu.memory_space<vmem>> -> memref<16xi32, #tpu.memory_space<vmem>>
    %dma_wait3A_196 = arith.constant 0 : i32
    %dma_wait3A_197 = arith.constant 0 : i32
    %dma_wait3A_198 = tpu.memref_slice %arg2[%dma_wait3A_196, %dma_wait3A_197] : memref<100000x1024xf32, #tpu.memory_space<hbm>> -> memref<100000x1024xf32, #tpu.memory_space<hbm>>
    tpu.wait_indirect_dma semaphore(%arg9 : memref<!tpu.dma_semaphore, #tpu.memory_space<semaphore_mem>>) src(%dma_wait3A_198 : memref<100000x1024xf32, #tpu.memory_space<hbm>>) dst(%dma_wait3A_193 : memref<16x1024xf32, #tpu.memory_space<vmem>>)
    %add3A_199 = arith.constant 32 : i32
    %add3A_200 = arith.addi %mul3A_2, %add3A_199 : i32
    %dma_start3A_201 = arith.constant 2 : i32
    %dma_start3A_202 = arith.constant 0 : i32
    %dma_start3A_203 = arith.constant 0 : i32
    %dma_start3A_204 = tpu.memref_slice %arg6[%dma_start3A_201, %dma_start3A_202, %dma_start3A_203] : memref<6x16x1024xf32, #tpu.memory_space<vmem>> -> memref<1x16x1024xf32, #tpu.memory_space<vmem>>
    %dma_start3A_205 = tpu.memref_squeeze %dma_start3A_204 : memref<1x16x1024xf32, #tpu.memory_space<vmem>> -> memref<16x1024xf32, #tpu.memory_space<vmem>>
    %dma_start3A_206 = arith.constant 0 : i32
    %dma_start3A_207 = tpu.memref_slice %arg4[%add3A_200, %dma_start3A_206] : memref<8192x1024xf32, #tpu.memory_space<hbm>> -> memref<16x1024xf32, #tpu.memory_space<hbm>>
    %dma_start3A_208 = arith.constant 0 : i32
    %dma_start3A_209 = tpu.memref_slice %arg4[%add3A_200, %dma_start3A_208] : memref<8192x1024xf32, #tpu.memory_space<hbm>> -> memref<16x1024xf32, #tpu.memory_space<hbm>>
    %dma_start3A_210 = arith.constant 0 : i32
    %dma_start3A_211 = arith.constant 0 : i32
    %dma_start3A_212 = tpu.memref_slice %arg6[%dma_start3A_201, %dma_start3A_210, %dma_start3A_211] : memref<6x16x1024xf32, #tpu.memory_space<vmem>> -> memref<1x16x1024xf32, #tpu.memory_space<vmem>>
    %dma_start3A_213 = tpu.memref_squeeze %dma_start3A_212 : memref<1x16x1024xf32, #tpu.memory_space<vmem>> -> memref<16x1024xf32, #tpu.memory_space<vmem>>
    tpu.enqueue_dma source(%dma_start3A_213 : memref<16x1024xf32, #tpu.memory_space<vmem>>) target(%dma_start3A_209 : memref<16x1024xf32, #tpu.memory_space<hbm>>) target_semaphore(%arg15 : memref<!tpu.dma_semaphore, #tpu.memory_space<semaphore_mem>>)
    %dma_wait3A_214 = arith.constant 2 : i32
    %dma_wait3A_215 = arith.constant 0 : i32
    %dma_wait3A_216 = arith.constant 0 : i32
    %dma_wait3A_217 = tpu.memref_slice %arg6[%dma_wait3A_214, %dma_wait3A_215, %dma_wait3A_216] : memref<6x16x1024xf32, #tpu.memory_space<vmem>> -> memref<1x16x1024xf32, #tpu.memory_space<vmem>>
    %dma_wait3A_218 = tpu.memref_squeeze %dma_wait3A_217 : memref<1x16x1024xf32, #tpu.memory_space<vmem>> -> memref<16x1024xf32, #tpu.memory_space<vmem>>
    %dma_wait3A_219 = arith.constant 0 : i32
    %dma_wait3A_220 = tpu.memref_slice %arg4[%add3A_200, %dma_wait3A_219] : memref<8192x1024xf32, #tpu.memory_space<hbm>> -> memref<16x1024xf32, #tpu.memory_space<hbm>>
    %dma_wait3A_221 = arith.constant 0 : i32
    %dma_wait3A_222 = tpu.memref_slice %arg4[%add3A_200, %dma_wait3A_221] : memref<8192x1024xf32, #tpu.memory_space<hbm>> -> memref<16x1024xf32, #tpu.memory_space<hbm>>
    %dma_wait3A_223 = arith.constant 0 : i32
    %dma_wait3A_224 = arith.constant 0 : i32
    %dma_wait3A_225 = tpu.memref_slice %arg6[%dma_wait3A_214, %dma_wait3A_223, %dma_wait3A_224] : memref<6x16x1024xf32, #tpu.memory_space<vmem>> -> memref<1x16x1024xf32, #tpu.memory_space<vmem>>
    %dma_wait3A_226 = tpu.memref_squeeze %dma_wait3A_225 : memref<1x16x1024xf32, #tpu.memory_space<vmem>> -> memref<16x1024xf32, #tpu.memory_space<vmem>>
    tpu.wait_dma2 semaphore(%arg15 : memref<!tpu.dma_semaphore, #tpu.memory_space<semaphore_mem>>) src(%dma_wait3A_226 : memref<16x1024xf32, #tpu.memory_space<vmem>>) dst(%dma_wait3A_222 : memref<16x1024xf32, #tpu.memory_space<hbm>>)
    %dma_start3A_227 = arith.constant 2 : i32
    %dma_start3A_228 = arith.constant 0 : i32
    %dma_start3A_229 = arith.constant 0 : i32
    %dma_start3A_230 = tpu.memref_slice %arg6[%dma_start3A_227, %dma_start3A_228, %dma_start3A_229] : memref<6x16x1024xf32, #tpu.memory_space<vmem>> -> memref<1x16x1024xf32, #tpu.memory_space<vmem>>
    %dma_start3A_231 = tpu.memref_squeeze %dma_start3A_230 : memref<1x16x1024xf32, #tpu.memory_space<vmem>> -> memref<16x1024xf32, #tpu.memory_space<vmem>>
    %dma_start3A_232 = arith.constant 128 : i32
    %dma_start3A_233 = tpu.memref_slice %arg5[%dma_start3A_232] : memref<256xi32, #tpu.memory_space<vmem>> -> memref<16xi32, #tpu.memory_space<vmem>>
    %dma_start3A_234 = arith.constant 0 : i32
    %dma_start3A_235 = arith.constant 0 : i32
    %dma_start3A_236 = tpu.memref_slice %arg2[%dma_start3A_234, %dma_start3A_235] : memref<100000x1024xf32, #tpu.memory_space<hbm>> -> memref<100000x1024xf32, #tpu.memory_space<hbm>>
    tpu.enqueue_indirect_dma source(%dma_start3A_236 : memref<100000x1024xf32, #tpu.memory_space<hbm>>) target(%dma_start3A_231 : memref<16x1024xf32, #tpu.memory_space<vmem>>) offsets(%dma_start3A_233 : memref<16xi32, #tpu.memory_space<vmem>>) semaphore(%arg9 : memref<!tpu.dma_semaphore, #tpu.memory_space<semaphore_mem>>)
    %dma_wait3A_237 = arith.constant 3 : i32
    %dma_wait3A_238 = arith.constant 0 : i32
    %dma_wait3A_239 = arith.constant 0 : i32
    %dma_wait3A_240 = tpu.memref_slice %arg6[%dma_wait3A_237, %dma_wait3A_238, %dma_wait3A_239] : memref<6x16x1024xf32, #tpu.memory_space<vmem>> -> memref<1x16x1024xf32, #tpu.memory_space<vmem>>
    %dma_wait3A_241 = tpu.memref_squeeze %dma_wait3A_240 : memref<1x16x1024xf32, #tpu.memory_space<vmem>> -> memref<16x1024xf32, #tpu.memory_space<vmem>>
    %dma_wait3A_242 = arith.constant 48 : i32
    %dma_wait3A_243 = tpu.memref_slice %arg5[%dma_wait3A_242] : memref<256xi32, #tpu.memory_space<vmem>> -> memref<16xi32, #tpu.memory_space<vmem>>
    %dma_wait3A_244 = arith.constant 0 : i32
    %dma_wait3A_245 = arith.constant 0 : i32
    %dma_wait3A_246 = tpu.memref_slice %arg2[%dma_wait3A_244, %dma_wait3A_245] : memref<100000x1024xf32, #tpu.memory_space<hbm>> -> memref<100000x1024xf32, #tpu.memory_space<hbm>>
    tpu.wait_indirect_dma semaphore(%arg10 : memref<!tpu.dma_semaphore, #tpu.memory_space<semaphore_mem>>) src(%dma_wait3A_246 : memref<100000x1024xf32, #tpu.memory_space<hbm>>) dst(%dma_wait3A_241 : memref<16x1024xf32, #tpu.memory_space<vmem>>)
    %add3A_247 = arith.constant 48 : i32
    %add3A_248 = arith.addi %mul3A_2, %add3A_247 : i32
    %dma_start3A_249 = arith.constant 3 : i32
    %dma_start3A_250 = arith.constant 0 : i32
    %dma_start3A_251 = arith.constant 0 : i32
    %dma_start3A_252 = tpu.memref_slice %arg6[%dma_start3A_249, %dma_start3A_250, %dma_start3A_251] : memref<6x16x1024xf32, #tpu.memory_space<vmem>> -> memref<1x16x1024xf32, #tpu.memory_space<vmem>>
    %dma_start3A_253 = tpu.memref_squeeze %dma_start3A_252 : memref<1x16x1024xf32, #tpu.memory_space<vmem>> -> memref<16x1024xf32, #tpu.memory_space<vmem>>
    %dma_start3A_254 = arith.constant 0 : i32
    %dma_start3A_255 = tpu.memref_slice %arg4[%add3A_248, %dma_start3A_254] : memref<8192x1024xf32, #tpu.memory_space<hbm>> -> memref<16x1024xf32, #tpu.memory_space<hbm>>
    %dma_start3A_256 = arith.constant 0 : i32
    %dma_start3A_257 = tpu.memref_slice %arg4[%add3A_248, %dma_start3A_256] : memref<8192x1024xf32, #tpu.memory_space<hbm>> -> memref<16x1024xf32, #tpu.memory_space<hbm>>
    %dma_start3A_258 = arith.constant 0 : i32
    %dma_start3A_259 = arith.constant 0 : i32
    %dma_start3A_260 = tpu.memref_slice %arg6[%dma_start3A_249, %dma_start3A_258, %dma_start3A_259] : memref<6x16x1024xf32, #tpu.memory_space<vmem>> -> memref<1x16x1024xf32, #tpu.memory_space<vmem>>
    %dma_start3A_261 = tpu.memref_squeeze %dma_start3A_260 : memref<1x16x1024xf32, #tpu.memory_space<vmem>> -> memref<16x1024xf32, #tpu.memory_space<vmem>>
    tpu.enqueue_dma source(%dma_start3A_261 : memref<16x1024xf32, #tpu.memory_space<vmem>>) target(%dma_start3A_257 : memref<16x1024xf32, #tpu.memory_space<hbm>>) target_semaphore(%arg16 : memref<!tpu.dma_semaphore, #tpu.memory_space<semaphore_mem>>)
    %dma_wait3A_262 = arith.constant 3 : i32
    %dma_wait3A_263 = arith.constant 0 : i32
    %dma_wait3A_264 = arith.constant 0 : i32
    %dma_wait3A_265 = tpu.memref_slice %arg6[%dma_wait3A_262, %dma_wait3A_263, %dma_wait3A_264] : memref<6x16x1024xf32, #tpu.memory_space<vmem>> -> memref<1x16x1024xf32, #tpu.memory_space<vmem>>
    %dma_wait3A_266 = tpu.memref_squeeze %dma_wait3A_265 : memref<1x16x1024xf32, #tpu.memory_space<vmem>> -> memref<16x1024xf32, #tpu.memory_space<vmem>>
    %dma_wait3A_267 = arith.constant 0 : i32
    %dma_wait3A_268 = tpu.memref_slice %arg4[%add3A_248, %dma_wait3A_267] : memref<8192x1024xf32, #tpu.memory_space<hbm>> -> memref<16x1024xf32, #tpu.memory_space<hbm>>
    %dma_wait3A_269 = arith.constant 0 : i32
    %dma_wait3A_270 = tpu.memref_slice %arg4[%add3A_248, %dma_wait3A_269] : memref<8192x1024xf32, #tpu.memory_space<hbm>> -> memref<16x1024xf32, #tpu.memory_space<hbm>>
    %dma_wait3A_271 = arith.constant 0 : i32
    %dma_wait3A_272 = arith.constant 0 : i32
    %dma_wait3A_273 = tpu.memref_slice %arg6[%dma_wait3A_262, %dma_wait3A_271, %dma_wait3A_272] : memref<6x16x1024xf32, #tpu.memory_space<vmem>> -> memref<1x16x1024xf32, #tpu.memory_space<vmem>>
    %dma_wait3A_274 = tpu.memref_squeeze %dma_wait3A_273 : memref<1x16x1024xf32, #tpu.memory_space<vmem>> -> memref<16x1024xf32, #tpu.memory_space<vmem>>
    tpu.wait_dma2 semaphore(%arg16 : memref<!tpu.dma_semaphore, #tpu.memory_space<semaphore_mem>>) src(%dma_wait3A_274 : memref<16x1024xf32, #tpu.memory_space<vmem>>) dst(%dma_wait3A_270 : memref<16x1024xf32, #tpu.memory_space<hbm>>)
    %dma_start3A_275 = arith.constant 3 : i32
    %dma_start3A_276 = arith.constant 0 : i32
    %dma_start3A_277 = arith.constant 0 : i32
    %dma_start3A_278 = tpu.memref_slice %arg6[%dma_start3A_275, %dma_start3A_276, %dma_start3A_277] : memref<6x16x1024xf32, #tpu.memory_space<vmem>> -> memref<1x16x1024xf32, #tpu.memory_space<vmem>>
    %dma_start3A_279 = tpu.memref_squeeze %dma_start3A_278 : memref<1x16x1024xf32, #tpu.memory_space<vmem>> -> memref<16x1024xf32, #tpu.memory_space<vmem>>
    %dma_start3A_280 = arith.constant 144 : i32
    %dma_start3A_281 = tpu.memref_slice %arg5[%dma_start3A_280] : memref<256xi32, #tpu.memory_space<vmem>> -> memref<16xi32, #tpu.memory_space<vmem>>
    %dma_start3A_282 = arith.constant 0 : i32
    %dma_start3A_283 = arith.constant 0 : i32
    %dma_start3A_284 = tpu.memref_slice %arg2[%dma_start3A_282, %dma_start3A_283] : memref<100000x1024xf32, #tpu.memory_space<hbm>> -> memref<100000x1024xf32, #tpu.memory_space<hbm>>
    tpu.enqueue_indirect_dma source(%dma_start3A_284 : memref<100000x1024xf32, #tpu.memory_space<hbm>>) target(%dma_start3A_279 : memref<16x1024xf32, #tpu.memory_space<vmem>>) offsets(%dma_start3A_281 : memref<16xi32, #tpu.memory_space<vmem>>) semaphore(%arg10 : memref<!tpu.dma_semaphore, #tpu.memory_space<semaphore_mem>>)
    %dma_wait3A_285 = arith.constant 4 : i32
    %dma_wait3A_286 = arith.constant 0 : i32
    %dma_wait3A_287 = arith.constant 0 : i32
    %dma_wait3A_288 = tpu.memref_slice %arg6[%dma_wait3A_285, %dma_wait3A_286, %dma_wait3A_287] : memref<6x16x1024xf32, #tpu.memory_space<vmem>> -> memref<1x16x1024xf32, #tpu.memory_space<vmem>>
    %dma_wait3A_289 = tpu.memref_squeeze %dma_wait3A_288 : memref<1x16x1024xf32, #tpu.memory_space<vmem>> -> memref<16x1024xf32, #tpu.memory_space<vmem>>
    %dma_wait3A_290 = arith.constant 64 : i32
    %dma_wait3A_291 = tpu.memref_slice %arg5[%dma_wait3A_290] : memref<256xi32, #tpu.memory_space<vmem>> -> memref<16xi32, #tpu.memory_space<vmem>>
    %dma_wait3A_292 = arith.constant 0 : i32
    %dma_wait3A_293 = arith.constant 0 : i32
    %dma_wait3A_294 = tpu.memref_slice %arg2[%dma_wait3A_292, %dma_wait3A_293] : memref<100000x1024xf32, #tpu.memory_space<hbm>> -> memref<100000x1024xf32, #tpu.memory_space<hbm>>
    tpu.wait_indirect_dma semaphore(%arg11 : memref<!tpu.dma_semaphore, #tpu.memory_space<semaphore_mem>>) src(%dma_wait3A_294 : memref<100000x1024xf32, #tpu.memory_space<hbm>>) dst(%dma_wait3A_289 : memref<16x1024xf32, #tpu.memory_space<vmem>>)
    %add3A_295 = arith.constant 64 : i32
    %add3A_296 = arith.addi %mul3A_2, %add3A_295 : i32
    %dma_start3A_297 = arith.constant 4 : i32
    %dma_start3A_298 = arith.constant 0 : i32
    %dma_start3A_299 = arith.constant 0 : i32
    %dma_start3A_300 = tpu.memref_slice %arg6[%dma_start3A_297, %dma_start3A_298, %dma_start3A_299] : memref<6x16x1024xf32, #tpu.memory_space<vmem>> -> memref<1x16x1024xf32, #tpu.memory_space<vmem>>
    %dma_start3A_301 = tpu.memref_squeeze %dma_start3A_300 : memref<1x16x1024xf32, #tpu.memory_space<vmem>> -> memref<16x1024xf32, #tpu.memory_space<vmem>>
    %dma_start3A_302 = arith.constant 0 : i32
    %dma_start3A_303 = tpu.memref_slice %arg4[%add3A_296, %dma_start3A_302] : memref<8192x1024xf32, #tpu.memory_space<hbm>> -> memref<16x1024xf32, #tpu.memory_space<hbm>>
    %dma_start3A_304 = arith.constant 0 : i32
    %dma_start3A_305 = tpu.memref_slice %arg4[%add3A_296, %dma_start3A_304] : memref<8192x1024xf32, #tpu.memory_space<hbm>> -> memref<16x1024xf32, #tpu.memory_space<hbm>>
    %dma_start3A_306 = arith.constant 0 : i32
    %dma_start3A_307 = arith.constant 0 : i32
    %dma_start3A_308 = tpu.memref_slice %arg6[%dma_start3A_297, %dma_start3A_306, %dma_start3A_307] : memref<6x16x1024xf32, #tpu.memory_space<vmem>> -> memref<1x16x1024xf32, #tpu.memory_space<vmem>>
    %dma_start3A_309 = tpu.memref_squeeze %dma_start3A_308 : memref<1x16x1024xf32, #tpu.memory_space<vmem>> -> memref<16x1024xf32, #tpu.memory_space<vmem>>
    tpu.enqueue_dma source(%dma_start3A_309 : memref<16x1024xf32, #tpu.memory_space<vmem>>) target(%dma_start3A_305 : memref<16x1024xf32, #tpu.memory_space<hbm>>) target_semaphore(%arg17 : memref<!tpu.dma_semaphore, #tpu.memory_space<semaphore_mem>>)
    %dma_wait3A_310 = arith.constant 4 : i32
    %dma_wait3A_311 = arith.constant 0 : i32
    %dma_wait3A_312 = arith.constant 0 : i32
    %dma_wait3A_313 = tpu.memref_slice %arg6[%dma_wait3A_310, %dma_wait3A_311, %dma_wait3A_312] : memref<6x16x1024xf32, #tpu.memory_space<vmem>> -> memref<1x16x1024xf32, #tpu.memory_space<vmem>>
    %dma_wait3A_314 = tpu.memref_squeeze %dma_wait3A_313 : memref<1x16x1024xf32, #tpu.memory_space<vmem>> -> memref<16x1024xf32, #tpu.memory_space<vmem>>
    %dma_wait3A_315 = arith.constant 0 : i32
    %dma_wait3A_316 = tpu.memref_slice %arg4[%add3A_296, %dma_wait3A_315] : memref<8192x1024xf32, #tpu.memory_space<hbm>> -> memref<16x1024xf32, #tpu.memory_space<hbm>>
    %dma_wait3A_317 = arith.constant 0 : i32
    %dma_wait3A_318 = tpu.memref_slice %arg4[%add3A_296, %dma_wait3A_317] : memref<8192x1024xf32, #tpu.memory_space<hbm>> -> memref<16x1024xf32, #tpu.memory_space<hbm>>
    %dma_wait3A_319 = arith.constant 0 : i32
    %dma_wait3A_320 = arith.constant 0 : i32
    %dma_wait3A_321 = tpu.memref_slice %arg6[%dma_wait3A_310, %dma_wait3A_319, %dma_wait3A_320] : memref<6x16x1024xf32, #tpu.memory_space<vmem>> -> memref<1x16x1024xf32, #tpu.memory_space<vmem>>
    %dma_wait3A_322 = tpu.memref_squeeze %dma_wait3A_321 : memref<1x16x1024xf32, #tpu.memory_space<vmem>> -> memref<16x1024xf32, #tpu.memory_space<vmem>>
    tpu.wait_dma2 semaphore(%arg17 : memref<!tpu.dma_semaphore, #tpu.memory_space<semaphore_mem>>) src(%dma_wait3A_322 : memref<16x1024xf32, #tpu.memory_space<vmem>>) dst(%dma_wait3A_318 : memref<16x1024xf32, #tpu.memory_space<hbm>>)
    %dma_start3A_323 = arith.constant 4 : i32
    %dma_start3A_324 = arith.constant 0 : i32
    %dma_start3A_325 = arith.constant 0 : i32
    %dma_start3A_326 = tpu.memref_slice %arg6[%dma_start3A_323, %dma_start3A_324, %dma_start3A_325] : memref<6x16x1024xf32, #tpu.memory_space<vmem>> -> memref<1x16x1024xf32, #tpu.memory_space<vmem>>
    %dma_start3A_327 = tpu.memref_squeeze %dma_start3A_326 : memref<1x16x1024xf32, #tpu.memory_space<vmem>> -> memref<16x1024xf32, #tpu.memory_space<vmem>>
    %dma_start3A_328 = arith.constant 160 : i32
    %dma_start3A_329 = tpu.memref_slice %arg5[%dma_start3A_328] : memref<256xi32, #tpu.memory_space<vmem>> -> memref<16xi32, #tpu.memory_space<vmem>>
    %dma_start3A_330 = arith.constant 0 : i32
    %dma_start3A_331 = arith.constant 0 : i32
    %dma_start3A_332 = tpu.memref_slice %arg2[%dma_start3A_330, %dma_start3A_331] : memref<100000x1024xf32, #tpu.memory_space<hbm>> -> memref<100000x1024xf32, #tpu.memory_space<hbm>>
    tpu.enqueue_indirect_dma source(%dma_start3A_332 : memref<100000x1024xf32, #tpu.memory_space<hbm>>) target(%dma_start3A_327 : memref<16x1024xf32, #tpu.memory_space<vmem>>) offsets(%dma_start3A_329 : memref<16xi32, #tpu.memory_space<vmem>>) semaphore(%arg11 : memref<!tpu.dma_semaphore, #tpu.memory_space<semaphore_mem>>)
    %dma_wait3A_333 = arith.constant 5 : i32
    %dma_wait3A_334 = arith.constant 0 : i32
    %dma_wait3A_335 = arith.constant 0 : i32
    %dma_wait3A_336 = tpu.memref_slice %arg6[%dma_wait3A_333, %dma_wait3A_334, %dma_wait3A_335] : memref<6x16x1024xf32, #tpu.memory_space<vmem>> -> memref<1x16x1024xf32, #tpu.memory_space<vmem>>
    %dma_wait3A_337 = tpu.memref_squeeze %dma_wait3A_336 : memref<1x16x1024xf32, #tpu.memory_space<vmem>> -> memref<16x1024xf32, #tpu.memory_space<vmem>>
    %dma_wait3A_338 = arith.constant 80 : i32
    %dma_wait3A_339 = tpu.memref_slice %arg5[%dma_wait3A_338] : memref<256xi32, #tpu.memory_space<vmem>> -> memref<16xi32, #tpu.memory_space<vmem>>
    %dma_wait3A_340 = arith.constant 0 : i32
    %dma_wait3A_341 = arith.constant 0 : i32
    %dma_wait3A_342 = tpu.memref_slice %arg2[%dma_wait3A_340, %dma_wait3A_341] : memref<100000x1024xf32, #tpu.memory_space<hbm>> -> memref<100000x1024xf32, #tpu.memory_space<hbm>>
    tpu.wait_indirect_dma semaphore(%arg12 : memref<!tpu.dma_semaphore, #tpu.memory_space<semaphore_mem>>) src(%dma_wait3A_342 : memref<100000x1024xf32, #tpu.memory_space<hbm>>) dst(%dma_wait3A_337 : memref<16x1024xf32, #tpu.memory_space<vmem>>)
    %add3A_343 = arith.constant 80 : i32
    %add3A_344 = arith.addi %mul3A_2, %add3A_343 : i32
    %dma_start3A_345 = arith.constant 5 : i32
    %dma_start3A_346 = arith.constant 0 : i32
    %dma_start3A_347 = arith.constant 0 : i32
    %dma_start3A_348 = tpu.memref_slice %arg6[%dma_start3A_345, %dma_start3A_346, %dma_start3A_347] : memref<6x16x1024xf32, #tpu.memory_space<vmem>> -> memref<1x16x1024xf32, #tpu.memory_space<vmem>>
    %dma_start3A_349 = tpu.memref_squeeze %dma_start3A_348 : memref<1x16x1024xf32, #tpu.memory_space<vmem>> -> memref<16x1024xf32, #tpu.memory_space<vmem>>
    %dma_start3A_350 = arith.constant 0 : i32
    %dma_start3A_351 = tpu.memref_slice %arg4[%add3A_344, %dma_start3A_350] : memref<8192x1024xf32, #tpu.memory_space<hbm>> -> memref<16x1024xf32, #tpu.memory_space<hbm>>
    %dma_start3A_352 = arith.constant 0 : i32
    %dma_start3A_353 = tpu.memref_slice %arg4[%add3A_344, %dma_start3A_352] : memref<8192x1024xf32, #tpu.memory_space<hbm>> -> memref<16x1024xf32, #tpu.memory_space<hbm>>
    %dma_start3A_354 = arith.constant 0 : i32
    %dma_start3A_355 = arith.constant 0 : i32
    %dma_start3A_356 = tpu.memref_slice %arg6[%dma_start3A_345, %dma_start3A_354, %dma_start3A_355] : memref<6x16x1024xf32, #tpu.memory_space<vmem>> -> memref<1x16x1024xf32, #tpu.memory_space<vmem>>
    %dma_start3A_357 = tpu.memref_squeeze %dma_start3A_356 : memref<1x16x1024xf32, #tpu.memory_space<vmem>> -> memref<16x1024xf32, #tpu.memory_space<vmem>>
    tpu.enqueue_dma source(%dma_start3A_357 : memref<16x1024xf32, #tpu.memory_space<vmem>>) target(%dma_start3A_353 : memref<16x1024xf32, #tpu.memory_space<hbm>>) target_semaphore(%arg18 : memref<!tpu.dma_semaphore, #tpu.memory_space<semaphore_mem>>)
    %dma_wait3A_358 = arith.constant 5 : i32
    %dma_wait3A_359 = arith.constant 0 : i32
    %dma_wait3A_360 = arith.constant 0 : i32
    %dma_wait3A_361 = tpu.memref_slice %arg6[%dma_wait3A_358, %dma_wait3A_359, %dma_wait3A_360] : memref<6x16x1024xf32, #tpu.memory_space<vmem>> -> memref<1x16x1024xf32, #tpu.memory_space<vmem>>
    %dma_wait3A_362 = tpu.memref_squeeze %dma_wait3A_361 : memref<1x16x1024xf32, #tpu.memory_space<vmem>> -> memref<16x1024xf32, #tpu.memory_space<vmem>>
    %dma_wait3A_363 = arith.constant 0 : i32
    %dma_wait3A_364 = tpu.memref_slice %arg4[%add3A_344, %dma_wait3A_363] : memref<8192x1024xf32, #tpu.memory_space<hbm>> -> memref<16x1024xf32, #tpu.memory_space<hbm>>
    %dma_wait3A_365 = arith.constant 0 : i32
    %dma_wait3A_366 = tpu.memref_slice %arg4[%add3A_344, %dma_wait3A_365] : memref<8192x1024xf32, #tpu.memory_space<hbm>> -> memref<16x1024xf32, #tpu.memory_space<hbm>>
    %dma_wait3A_367 = arith.constant 0 : i32
    %dma_wait3A_368 = arith.constant 0 : i32
    %dma_wait3A_369 = tpu.memref_slice %arg6[%dma_wait3A_358, %dma_wait3A_367, %dma_wait3A_368] : memref<6x16x1024xf32, #tpu.memory_space<vmem>> -> memref<1x16x1024xf32, #tpu.memory_space<vmem>>
    %dma_wait3A_370 = tpu.memref_squeeze %dma_wait3A_369 : memref<1x16x1024xf32, #tpu.memory_space<vmem>> -> memref<16x1024xf32, #tpu.memory_space<vmem>>
    tpu.wait_dma2 semaphore(%arg18 : memref<!tpu.dma_semaphore, #tpu.memory_space<semaphore_mem>>) src(%dma_wait3A_370 : memref<16x1024xf32, #tpu.memory_space<vmem>>) dst(%dma_wait3A_366 : memref<16x1024xf32, #tpu.memory_space<hbm>>)
    %dma_start3A_371 = arith.constant 5 : i32
    %dma_start3A_372 = arith.constant 0 : i32
    %dma_start3A_373 = arith.constant 0 : i32
    %dma_start3A_374 = tpu.memref_slice %arg6[%dma_start3A_371, %dma_start3A_372, %dma_start3A_373] : memref<6x16x1024xf32, #tpu.memory_space<vmem>> -> memref<1x16x1024xf32, #tpu.memory_space<vmem>>
    %dma_start3A_375 = tpu.memref_squeeze %dma_start3A_374 : memref<1x16x1024xf32, #tpu.memory_space<vmem>> -> memref<16x1024xf32, #tpu.memory_space<vmem>>
    %dma_start3A_376 = arith.constant 176 : i32
    %dma_start3A_377 = tpu.memref_slice %arg5[%dma_start3A_376] : memref<256xi32, #tpu.memory_space<vmem>> -> memref<16xi32, #tpu.memory_space<vmem>>
    %dma_start3A_378 = arith.constant 0 : i32
    %dma_start3A_379 = arith.constant 0 : i32
    %dma_start3A_380 = tpu.memref_slice %arg2[%dma_start3A_378, %dma_start3A_379] : memref<100000x1024xf32, #tpu.memory_space<hbm>> -> memref<100000x1024xf32, #tpu.memory_space<hbm>>
    tpu.enqueue_indirect_dma source(%dma_start3A_380 : memref<100000x1024xf32, #tpu.memory_space<hbm>>) target(%dma_start3A_375 : memref<16x1024xf32, #tpu.memory_space<vmem>>) offsets(%dma_start3A_377 : memref<16xi32, #tpu.memory_space<vmem>>) semaphore(%arg12 : memref<!tpu.dma_semaphore, #tpu.memory_space<semaphore_mem>>)
    %dma_wait3A_381 = arith.constant 0 : i32
    %dma_wait3A_382 = arith.constant 0 : i32
    %dma_wait3A_383 = arith.constant 0 : i32
    %dma_wait3A_384 = tpu.memref_slice %arg6[%dma_wait3A_381, %dma_wait3A_382, %dma_wait3A_383] : memref<6x16x1024xf32, #tpu.memory_space<vmem>> -> memref<1x16x1024xf32, #tpu.memory_space<vmem>>
    %dma_wait3A_385 = tpu.memref_squeeze %dma_wait3A_384 : memref<1x16x1024xf32, #tpu.memory_space<vmem>> -> memref<16x1024xf32, #tpu.memory_space<vmem>>
    %dma_wait3A_386 = arith.constant 96 : i32
    %dma_wait3A_387 = tpu.memref_slice %arg5[%dma_wait3A_386] : memref<256xi32, #tpu.memory_space<vmem>> -> memref<16xi32, #tpu.memory_space<vmem>>
    %dma_wait3A_388 = arith.constant 0 : i32
    %dma_wait3A_389 = arith.constant 0 : i32
    %dma_wait3A_390 = tpu.memref_slice %arg2[%dma_wait3A_388, %dma_wait3A_389] : memref<100000x1024xf32, #tpu.memory_space<hbm>> -> memref<100000x1024xf32, #tpu.memory_space<hbm>>
    tpu.wait_indirect_dma semaphore(%arg7 : memref<!tpu.dma_semaphore, #tpu.memory_space<semaphore_mem>>) src(%dma_wait3A_390 : memref<100000x1024xf32, #tpu.memory_space<hbm>>) dst(%dma_wait3A_385 : memref<16x1024xf32, #tpu.memory_space<vmem>>)
    %add3A_391 = arith.constant 96 : i32
    %add3A_392 = arith.addi %mul3A_2, %add3A_391 : i32
    %dma_start3A_393 = arith.constant 0 : i32
    %dma_start3A_394 = arith.constant 0 : i32
    %dma_start3A_395 = arith.constant 0 : i32
    %dma_start3A_396 = tpu.memref_slice %arg6[%dma_start3A_393, %dma_start3A_394, %dma_start3A_395] : memref<6x16x1024xf32, #tpu.memory_space<vmem>> -> memref<1x16x1024xf32, #tpu.memory_space<vmem>>
    %dma_start3A_397 = tpu.memref_squeeze %dma_start3A_396 : memref<1x16x1024xf32, #tpu.memory_space<vmem>> -> memref<16x1024xf32, #tpu.memory_space<vmem>>
    %dma_start3A_398 = arith.constant 0 : i32
    %dma_start3A_399 = tpu.memref_slice %arg4[%add3A_392, %dma_start3A_398] : memref<8192x1024xf32, #tpu.memory_space<hbm>> -> memref<16x1024xf32, #tpu.memory_space<hbm>>
    %dma_start3A_400 = arith.constant 0 : i32
    %dma_start3A_401 = tpu.memref_slice %arg4[%add3A_392, %dma_start3A_400] : memref<8192x1024xf32, #tpu.memory_space<hbm>> -> memref<16x1024xf32, #tpu.memory_space<hbm>>
    %dma_start3A_402 = arith.constant 0 : i32
    %dma_start3A_403 = arith.constant 0 : i32
    %dma_start3A_404 = tpu.memref_slice %arg6[%dma_start3A_393, %dma_start3A_402, %dma_start3A_403] : memref<6x16x1024xf32, #tpu.memory_space<vmem>> -> memref<1x16x1024xf32, #tpu.memory_space<vmem>>
    %dma_start3A_405 = tpu.memref_squeeze %dma_start3A_404 : memref<1x16x1024xf32, #tpu.memory_space<vmem>> -> memref<16x1024xf32, #tpu.memory_space<vmem>>
    tpu.enqueue_dma source(%dma_start3A_405 : memref<16x1024xf32, #tpu.memory_space<vmem>>) target(%dma_start3A_401 : memref<16x1024xf32, #tpu.memory_space<hbm>>) target_semaphore(%arg13 : memref<!tpu.dma_semaphore, #tpu.memory_space<semaphore_mem>>)
    %dma_wait3A_406 = arith.constant 0 : i32
    %dma_wait3A_407 = arith.constant 0 : i32
    %dma_wait3A_408 = arith.constant 0 : i32
    %dma_wait3A_409 = tpu.memref_slice %arg6[%dma_wait3A_406, %dma_wait3A_407, %dma_wait3A_408] : memref<6x16x1024xf32, #tpu.memory_space<vmem>> -> memref<1x16x1024xf32, #tpu.memory_space<vmem>>
    %dma_wait3A_410 = tpu.memref_squeeze %dma_wait3A_409 : memref<1x16x1024xf32, #tpu.memory_space<vmem>> -> memref<16x1024xf32, #tpu.memory_space<vmem>>
    %dma_wait3A_411 = arith.constant 0 : i32
    %dma_wait3A_412 = tpu.memref_slice %arg4[%add3A_392, %dma_wait3A_411] : memref<8192x1024xf32, #tpu.memory_space<hbm>> -> memref<16x1024xf32, #tpu.memory_space<hbm>>
    %dma_wait3A_413 = arith.constant 0 : i32
    %dma_wait3A_414 = tpu.memref_slice %arg4[%add3A_392, %dma_wait3A_413] : memref<8192x1024xf32, #tpu.memory_space<hbm>> -> memref<16x1024xf32, #tpu.memory_space<hbm>>
    %dma_wait3A_415 = arith.constant 0 : i32
    %dma_wait3A_416 = arith.constant 0 : i32
    %dma_wait3A_417 = tpu.memref_slice %arg6[%dma_wait3A_406, %dma_wait3A_415, %dma_wait3A_416] : memref<6x16x1024xf32, #tpu.memory_space<vmem>> -> memref<1x16x1024xf32, #tpu.memory_space<vmem>>
    %dma_wait3A_418 = tpu.memref_squeeze %dma_wait3A_417 : memref<1x16x1024xf32, #tpu.memory_space<vmem>> -> memref<16x1024xf32, #tpu.memory_space<vmem>>
    tpu.wait_dma2 semaphore(%arg13 : memref<!tpu.dma_semaphore, #tpu.memory_space<semaphore_mem>>) src(%dma_wait3A_418 : memref<16x1024xf32, #tpu.memory_space<vmem>>) dst(%dma_wait3A_414 : memref<16x1024xf32, #tpu.memory_space<hbm>>)
    %dma_start3A_419 = arith.constant 0 : i32
    %dma_start3A_420 = arith.constant 0 : i32
    %dma_start3A_421 = arith.constant 0 : i32
    %dma_start3A_422 = tpu.memref_slice %arg6[%dma_start3A_419, %dma_start3A_420, %dma_start3A_421] : memref<6x16x1024xf32, #tpu.memory_space<vmem>> -> memref<1x16x1024xf32, #tpu.memory_space<vmem>>
    %dma_start3A_423 = tpu.memref_squeeze %dma_start3A_422 : memref<1x16x1024xf32, #tpu.memory_space<vmem>> -> memref<16x1024xf32, #tpu.memory_space<vmem>>
    %dma_start3A_424 = arith.constant 192 : i32
    %dma_start3A_425 = tpu.memref_slice %arg5[%dma_start3A_424] : memref<256xi32, #tpu.memory_space<vmem>> -> memref<16xi32, #tpu.memory_space<vmem>>
    %dma_start3A_426 = arith.constant 0 : i32
    %dma_start3A_427 = arith.constant 0 : i32
    %dma_start3A_428 = tpu.memref_slice %arg2[%dma_start3A_426, %dma_start3A_427] : memref<100000x1024xf32, #tpu.memory_space<hbm>> -> memref<100000x1024xf32, #tpu.memory_space<hbm>>
    tpu.enqueue_indirect_dma source(%dma_start3A_428 : memref<100000x1024xf32, #tpu.memory_space<hbm>>) target(%dma_start3A_423 : memref<16x1024xf32, #tpu.memory_space<vmem>>) offsets(%dma_start3A_425 : memref<16xi32, #tpu.memory_space<vmem>>) semaphore(%arg7 : memref<!tpu.dma_semaphore, #tpu.memory_space<semaphore_mem>>)
    %dma_wait3A_429 = arith.constant 1 : i32
    %dma_wait3A_430 = arith.constant 0 : i32
    %dma_wait3A_431 = arith.constant 0 : i32
    %dma_wait3A_432 = tpu.memref_slice %arg6[%dma_wait3A_429, %dma_wait3A_430, %dma_wait3A_431] : memref<6x16x1024xf32, #tpu.memory_space<vmem>> -> memref<1x16x1024xf32, #tpu.memory_space<vmem>>
    %dma_wait3A_433 = tpu.memref_squeeze %dma_wait3A_432 : memref<1x16x1024xf32, #tpu.memory_space<vmem>> -> memref<16x1024xf32, #tpu.memory_space<vmem>>
    %dma_wait3A_434 = arith.constant 112 : i32
    %dma_wait3A_435 = tpu.memref_slice %arg5[%dma_wait3A_434] : memref<256xi32, #tpu.memory_space<vmem>> -> memref<16xi32, #tpu.memory_space<vmem>>
    %dma_wait3A_436 = arith.constant 0 : i32
    %dma_wait3A_437 = arith.constant 0 : i32
    %dma_wait3A_438 = tpu.memref_slice %arg2[%dma_wait3A_436, %dma_wait3A_437] : memref<100000x1024xf32, #tpu.memory_space<hbm>> -> memref<100000x1024xf32, #tpu.memory_space<hbm>>
    tpu.wait_indirect_dma semaphore(%arg8 : memref<!tpu.dma_semaphore, #tpu.memory_space<semaphore_mem>>) src(%dma_wait3A_438 : memref<100000x1024xf32, #tpu.memory_space<hbm>>) dst(%dma_wait3A_433 : memref<16x1024xf32, #tpu.memory_space<vmem>>)
    %add3A_439 = arith.constant 112 : i32
    %add3A_440 = arith.addi %mul3A_2, %add3A_439 : i32
    %dma_start3A_441 = arith.constant 1 : i32
    %dma_start3A_442 = arith.constant 0 : i32
    %dma_start3A_443 = arith.constant 0 : i32
    %dma_start3A_444 = tpu.memref_slice %arg6[%dma_start3A_441, %dma_start3A_442, %dma_start3A_443] : memref<6x16x1024xf32, #tpu.memory_space<vmem>> -> memref<1x16x1024xf32, #tpu.memory_space<vmem>>
    %dma_start3A_445 = tpu.memref_squeeze %dma_start3A_444 : memref<1x16x1024xf32, #tpu.memory_space<vmem>> -> memref<16x1024xf32, #tpu.memory_space<vmem>>
    %dma_start3A_446 = arith.constant 0 : i32
    %dma_start3A_447 = tpu.memref_slice %arg4[%add3A_440, %dma_start3A_446] : memref<8192x1024xf32, #tpu.memory_space<hbm>> -> memref<16x1024xf32, #tpu.memory_space<hbm>>
    %dma_start3A_448 = arith.constant 0 : i32
    %dma_start3A_449 = tpu.memref_slice %arg4[%add3A_440, %dma_start3A_448] : memref<8192x1024xf32, #tpu.memory_space<hbm>> -> memref<16x1024xf32, #tpu.memory_space<hbm>>
    %dma_start3A_450 = arith.constant 0 : i32
    %dma_start3A_451 = arith.constant 0 : i32
    %dma_start3A_452 = tpu.memref_slice %arg6[%dma_start3A_441, %dma_start3A_450, %dma_start3A_451] : memref<6x16x1024xf32, #tpu.memory_space<vmem>> -> memref<1x16x1024xf32, #tpu.memory_space<vmem>>
    %dma_start3A_453 = tpu.memref_squeeze %dma_start3A_452 : memref<1x16x1024xf32, #tpu.memory_space<vmem>> -> memref<16x1024xf32, #tpu.memory_space<vmem>>
    tpu.enqueue_dma source(%dma_start3A_453 : memref<16x1024xf32, #tpu.memory_space<vmem>>) target(%dma_start3A_449 : memref<16x1024xf32, #tpu.memory_space<hbm>>) target_semaphore(%arg14 : memref<!tpu.dma_semaphore, #tpu.memory_space<semaphore_mem>>)
    %dma_wait3A_454 = arith.constant 1 : i32
    %dma_wait3A_455 = arith.constant 0 : i32
    %dma_wait3A_456 = arith.constant 0 : i32
    %dma_wait3A_457 = tpu.memref_slice %arg6[%dma_wait3A_454, %dma_wait3A_455, %dma_wait3A_456] : memref<6x16x1024xf32, #tpu.memory_space<vmem>> -> memref<1x16x1024xf32, #tpu.memory_space<vmem>>
    %dma_wait3A_458 = tpu.memref_squeeze %dma_wait3A_457 : memref<1x16x1024xf32, #tpu.memory_space<vmem>> -> memref<16x1024xf32, #tpu.memory_space<vmem>>
    %dma_wait3A_459 = arith.constant 0 : i32
    %dma_wait3A_460 = tpu.memref_slice %arg4[%add3A_440, %dma_wait3A_459] : memref<8192x1024xf32, #tpu.memory_space<hbm>> -> memref<16x1024xf32, #tpu.memory_space<hbm>>
    %dma_wait3A_461 = arith.constant 0 : i32
    %dma_wait3A_462 = tpu.memref_slice %arg4[%add3A_440, %dma_wait3A_461] : memref<8192x1024xf32, #tpu.memory_space<hbm>> -> memref<16x1024xf32, #tpu.memory_space<hbm>>
    %dma_wait3A_463 = arith.constant 0 : i32
    %dma_wait3A_464 = arith.constant 0 : i32
    %dma_wait3A_465 = tpu.memref_slice %arg6[%dma_wait3A_454, %dma_wait3A_463, %dma_wait3A_464] : memref<6x16x1024xf32, #tpu.memory_space<vmem>> -> memref<1x16x1024xf32, #tpu.memory_space<vmem>>
    %dma_wait3A_466 = tpu.memref_squeeze %dma_wait3A_465 : memref<1x16x1024xf32, #tpu.memory_space<vmem>> -> memref<16x1024xf32, #tpu.memory_space<vmem>>
    tpu.wait_dma2 semaphore(%arg14 : memref<!tpu.dma_semaphore, #tpu.memory_space<semaphore_mem>>) src(%dma_wait3A_466 : memref<16x1024xf32, #tpu.memory_space<vmem>>) dst(%dma_wait3A_462 : memref<16x1024xf32, #tpu.memory_space<hbm>>)
    %dma_start3A_467 = arith.constant 1 : i32
    %dma_start3A_468 = arith.constant 0 : i32
    %dma_start3A_469 = arith.constant 0 : i32
    %dma_start3A_470 = tpu.memref_slice %arg6[%dma_start3A_467, %dma_start3A_468, %dma_start3A_469] : memref<6x16x1024xf32, #tpu.memory_space<vmem>> -> memref<1x16x1024xf32, #tpu.memory_space<vmem>>
    %dma_start3A_471 = tpu.memref_squeeze %dma_start3A_470 : memref<1x16x1024xf32, #tpu.memory_space<vmem>> -> memref<16x1024xf32, #tpu.memory_space<vmem>>
    %dma_start3A_472 = arith.constant 208 : i32
    %dma_start3A_473 = tpu.memref_slice %arg5[%dma_start3A_472] : memref<256xi32, #tpu.memory_space<vmem>> -> memref<16xi32, #tpu.memory_space<vmem>>
    %dma_start3A_474 = arith.constant 0 : i32
    %dma_start3A_475 = arith.constant 0 : i32
    %dma_start3A_476 = tpu.memref_slice %arg2[%dma_start3A_474, %dma_start3A_475] : memref<100000x1024xf32, #tpu.memory_space<hbm>> -> memref<100000x1024xf32, #tpu.memory_space<hbm>>
    tpu.enqueue_indirect_dma source(%dma_start3A_476 : memref<100000x1024xf32, #tpu.memory_space<hbm>>) target(%dma_start3A_471 : memref<16x1024xf32, #tpu.memory_space<vmem>>) offsets(%dma_start3A_473 : memref<16xi32, #tpu.memory_space<vmem>>) semaphore(%arg8 : memref<!tpu.dma_semaphore, #tpu.memory_space<semaphore_mem>>)
    %dma_wait3A_477 = arith.constant 2 : i32
    %dma_wait3A_478 = arith.constant 0 : i32
    %dma_wait3A_479 = arith.constant 0 : i32
    %dma_wait3A_480 = tpu.memref_slice %arg6[%dma_wait3A_477, %dma_wait3A_478, %dma_wait3A_479] : memref<6x16x1024xf32, #tpu.memory_space<vmem>> -> memref<1x16x1024xf32, #tpu.memory_space<vmem>>
    %dma_wait3A_481 = tpu.memref_squeeze %dma_wait3A_480 : memref<1x16x1024xf32, #tpu.memory_space<vmem>> -> memref<16x1024xf32, #tpu.memory_space<vmem>>
    %dma_wait3A_482 = arith.constant 128 : i32
    %dma_wait3A_483 = tpu.memref_slice %arg5[%dma_wait3A_482] : memref<256xi32, #tpu.memory_space<vmem>> -> memref<16xi32, #tpu.memory_space<vmem>>
    %dma_wait3A_484 = arith.constant 0 : i32
    %dma_wait3A_485 = arith.constant 0 : i32
    %dma_wait3A_486 = tpu.memref_slice %arg2[%dma_wait3A_484, %dma_wait3A_485] : memref<100000x1024xf32, #tpu.memory_space<hbm>> -> memref<100000x1024xf32, #tpu.memory_space<hbm>>
    tpu.wait_indirect_dma semaphore(%arg9 : memref<!tpu.dma_semaphore, #tpu.memory_space<semaphore_mem>>) src(%dma_wait3A_486 : memref<100000x1024xf32, #tpu.memory_space<hbm>>) dst(%dma_wait3A_481 : memref<16x1024xf32, #tpu.memory_space<vmem>>)
    %add3A_487 = arith.constant 128 : i32
    %add3A_488 = arith.addi %mul3A_2, %add3A_487 : i32
    %dma_start3A_489 = arith.constant 2 : i32
    %dma_start3A_490 = arith.constant 0 : i32
    %dma_start3A_491 = arith.constant 0 : i32
    %dma_start3A_492 = tpu.memref_slice %arg6[%dma_start3A_489, %dma_start3A_490, %dma_start3A_491] : memref<6x16x1024xf32, #tpu.memory_space<vmem>> -> memref<1x16x1024xf32, #tpu.memory_space<vmem>>
    %dma_start3A_493 = tpu.memref_squeeze %dma_start3A_492 : memref<1x16x1024xf32, #tpu.memory_space<vmem>> -> memref<16x1024xf32, #tpu.memory_space<vmem>>
    %dma_start3A_494 = arith.constant 0 : i32
    %dma_start3A_495 = tpu.memref_slice %arg4[%add3A_488, %dma_start3A_494] : memref<8192x1024xf32, #tpu.memory_space<hbm>> -> memref<16x1024xf32, #tpu.memory_space<hbm>>
    %dma_start3A_496 = arith.constant 0 : i32
    %dma_start3A_497 = tpu.memref_slice %arg4[%add3A_488, %dma_start3A_496] : memref<8192x1024xf32, #tpu.memory_space<hbm>> -> memref<16x1024xf32, #tpu.memory_space<hbm>>
    %dma_start3A_498 = arith.constant 0 : i32
    %dma_start3A_499 = arith.constant 0 : i32
    %dma_start3A_500 = tpu.memref_slice %arg6[%dma_start3A_489, %dma_start3A_498, %dma_start3A_499] : memref<6x16x1024xf32, #tpu.memory_space<vmem>> -> memref<1x16x1024xf32, #tpu.memory_space<vmem>>
    %dma_start3A_501 = tpu.memref_squeeze %dma_start3A_500 : memref<1x16x1024xf32, #tpu.memory_space<vmem>> -> memref<16x1024xf32, #tpu.memory_space<vmem>>
    tpu.enqueue_dma source(%dma_start3A_501 : memref<16x1024xf32, #tpu.memory_space<vmem>>) target(%dma_start3A_497 : memref<16x1024xf32, #tpu.memory_space<hbm>>) target_semaphore(%arg15 : memref<!tpu.dma_semaphore, #tpu.memory_space<semaphore_mem>>)
    %dma_wait3A_502 = arith.constant 2 : i32
    %dma_wait3A_503 = arith.constant 0 : i32
    %dma_wait3A_504 = arith.constant 0 : i32
    %dma_wait3A_505 = tpu.memref_slice %arg6[%dma_wait3A_502, %dma_wait3A_503, %dma_wait3A_504] : memref<6x16x1024xf32, #tpu.memory_space<vmem>> -> memref<1x16x1024xf32, #tpu.memory_space<vmem>>
    %dma_wait3A_506 = tpu.memref_squeeze %dma_wait3A_505 : memref<1x16x1024xf32, #tpu.memory_space<vmem>> -> memref<16x1024xf32, #tpu.memory_space<vmem>>
    %dma_wait3A_507 = arith.constant 0 : i32
    %dma_wait3A_508 = tpu.memref_slice %arg4[%add3A_488, %dma_wait3A_507] : memref<8192x1024xf32, #tpu.memory_space<hbm>> -> memref<16x1024xf32, #tpu.memory_space<hbm>>
    %dma_wait3A_509 = arith.constant 0 : i32
    %dma_wait3A_510 = tpu.memref_slice %arg4[%add3A_488, %dma_wait3A_509] : memref<8192x1024xf32, #tpu.memory_space<hbm>> -> memref<16x1024xf32, #tpu.memory_space<hbm>>
    %dma_wait3A_511 = arith.constant 0 : i32
    %dma_wait3A_512 = arith.constant 0 : i32
    %dma_wait3A_513 = tpu.memref_slice %arg6[%dma_wait3A_502, %dma_wait3A_511, %dma_wait3A_512] : memref<6x16x1024xf32, #tpu.memory_space<vmem>> -> memref<1x16x1024xf32, #tpu.memory_space<vmem>>
    %dma_wait3A_514 = tpu.memref_squeeze %dma_wait3A_513 : memref<1x16x1024xf32, #tpu.memory_space<vmem>> -> memref<16x1024xf32, #tpu.memory_space<vmem>>
    tpu.wait_dma2 semaphore(%arg15 : memref<!tpu.dma_semaphore, #tpu.memory_space<semaphore_mem>>) src(%dma_wait3A_514 : memref<16x1024xf32, #tpu.memory_space<vmem>>) dst(%dma_wait3A_510 : memref<16x1024xf32, #tpu.memory_space<hbm>>)
    %dma_start3A_515 = arith.constant 2 : i32
    %dma_start3A_516 = arith.constant 0 : i32
    %dma_start3A_517 = arith.constant 0 : i32
    %dma_start3A_518 = tpu.memref_slice %arg6[%dma_start3A_515, %dma_start3A_516, %dma_start3A_517] : memref<6x16x1024xf32, #tpu.memory_space<vmem>> -> memref<1x16x1024xf32, #tpu.memory_space<vmem>>
    %dma_start3A_519 = tpu.memref_squeeze %dma_start3A_518 : memref<1x16x1024xf32, #tpu.memory_space<vmem>> -> memref<16x1024xf32, #tpu.memory_space<vmem>>
    %dma_start3A_520 = arith.constant 224 : i32
    %dma_start3A_521 = tpu.memref_slice %arg5[%dma_start3A_520] : memref<256xi32, #tpu.memory_space<vmem>> -> memref<16xi32, #tpu.memory_space<vmem>>
    %dma_start3A_522 = arith.constant 0 : i32
    %dma_start3A_523 = arith.constant 0 : i32
    %dma_start3A_524 = tpu.memref_slice %arg2[%dma_start3A_522, %dma_start3A_523] : memref<100000x1024xf32, #tpu.memory_space<hbm>> -> memref<100000x1024xf32, #tpu.memory_space<hbm>>
    tpu.enqueue_indirect_dma source(%dma_start3A_524 : memref<100000x1024xf32, #tpu.memory_space<hbm>>) target(%dma_start3A_519 : memref<16x1024xf32, #tpu.memory_space<vmem>>) offsets(%dma_start3A_521 : memref<16xi32, #tpu.memory_space<vmem>>) semaphore(%arg9 : memref<!tpu.dma_semaphore, #tpu.memory_space<semaphore_mem>>)
    %dma_wait3A_525 = arith.constant 3 : i32
    %dma_wait3A_526 = arith.constant 0 : i32
    %dma_wait3A_527 = arith.constant 0 : i32
    %dma_wait3A_528 = tpu.memref_slice %arg6[%dma_wait3A_525, %dma_wait3A_526, %dma_wait3A_527] : memref<6x16x1024xf32, #tpu.memory_space<vmem>> -> memref<1x16x1024xf32, #tpu.memory_space<vmem>>
    %dma_wait3A_529 = tpu.memref_squeeze %dma_wait3A_528 : memref<1x16x1024xf32, #tpu.memory_space<vmem>> -> memref<16x1024xf32, #tpu.memory_space<vmem>>
    %dma_wait3A_530 = arith.constant 144 : i32
    %dma_wait3A_531 = tpu.memref_slice %arg5[%dma_wait3A_530] : memref<256xi32, #tpu.memory_space<vmem>> -> memref<16xi32, #tpu.memory_space<vmem>>
    %dma_wait3A_532 = arith.constant 0 : i32
    %dma_wait3A_533 = arith.constant 0 : i32
    %dma_wait3A_534 = tpu.memref_slice %arg2[%dma_wait3A_532, %dma_wait3A_533] : memref<100000x1024xf32, #tpu.memory_space<hbm>> -> memref<100000x1024xf32, #tpu.memory_space<hbm>>
    tpu.wait_indirect_dma semaphore(%arg10 : memref<!tpu.dma_semaphore, #tpu.memory_space<semaphore_mem>>) src(%dma_wait3A_534 : memref<100000x1024xf32, #tpu.memory_space<hbm>>) dst(%dma_wait3A_529 : memref<16x1024xf32, #tpu.memory_space<vmem>>)
    %add3A_535 = arith.constant 144 : i32
    %add3A_536 = arith.addi %mul3A_2, %add3A_535 : i32
    %dma_start3A_537 = arith.constant 3 : i32
    %dma_start3A_538 = arith.constant 0 : i32
    %dma_start3A_539 = arith.constant 0 : i32
    %dma_start3A_540 = tpu.memref_slice %arg6[%dma_start3A_537, %dma_start3A_538, %dma_start3A_539] : memref<6x16x1024xf32, #tpu.memory_space<vmem>> -> memref<1x16x1024xf32, #tpu.memory_space<vmem>>
    %dma_start3A_541 = tpu.memref_squeeze %dma_start3A_540 : memref<1x16x1024xf32, #tpu.memory_space<vmem>> -> memref<16x1024xf32, #tpu.memory_space<vmem>>
    %dma_start3A_542 = arith.constant 0 : i32
    %dma_start3A_543 = tpu.memref_slice %arg4[%add3A_536, %dma_start3A_542] : memref<8192x1024xf32, #tpu.memory_space<hbm>> -> memref<16x1024xf32, #tpu.memory_space<hbm>>
    %dma_start3A_544 = arith.constant 0 : i32
    %dma_start3A_545 = tpu.memref_slice %arg4[%add3A_536, %dma_start3A_544] : memref<8192x1024xf32, #tpu.memory_space<hbm>> -> memref<16x1024xf32, #tpu.memory_space<hbm>>
    %dma_start3A_546 = arith.constant 0 : i32
    %dma_start3A_547 = arith.constant 0 : i32
    %dma_start3A_548 = tpu.memref_slice %arg6[%dma_start3A_537, %dma_start3A_546, %dma_start3A_547] : memref<6x16x1024xf32, #tpu.memory_space<vmem>> -> memref<1x16x1024xf32, #tpu.memory_space<vmem>>
    %dma_start3A_549 = tpu.memref_squeeze %dma_start3A_548 : memref<1x16x1024xf32, #tpu.memory_space<vmem>> -> memref<16x1024xf32, #tpu.memory_space<vmem>>
    tpu.enqueue_dma source(%dma_start3A_549 : memref<16x1024xf32, #tpu.memory_space<vmem>>) target(%dma_start3A_545 : memref<16x1024xf32, #tpu.memory_space<hbm>>) target_semaphore(%arg16 : memref<!tpu.dma_semaphore, #tpu.memory_space<semaphore_mem>>)
    %dma_wait3A_550 = arith.constant 3 : i32
    %dma_wait3A_551 = arith.constant 0 : i32
    %dma_wait3A_552 = arith.constant 0 : i32
    %dma_wait3A_553 = tpu.memref_slice %arg6[%dma_wait3A_550, %dma_wait3A_551, %dma_wait3A_552] : memref<6x16x1024xf32, #tpu.memory_space<vmem>> -> memref<1x16x1024xf32, #tpu.memory_space<vmem>>
    %dma_wait3A_554 = tpu.memref_squeeze %dma_wait3A_553 : memref<1x16x1024xf32, #tpu.memory_space<vmem>> -> memref<16x1024xf32, #tpu.memory_space<vmem>>
    %dma_wait3A_555 = arith.constant 0 : i32
    %dma_wait3A_556 = tpu.memref_slice %arg4[%add3A_536, %dma_wait3A_555] : memref<8192x1024xf32, #tpu.memory_space<hbm>> -> memref<16x1024xf32, #tpu.memory_space<hbm>>
    %dma_wait3A_557 = arith.constant 0 : i32
    %dma_wait3A_558 = tpu.memref_slice %arg4[%add3A_536, %dma_wait3A_557] : memref<8192x1024xf32, #tpu.memory_space<hbm>> -> memref<16x1024xf32, #tpu.memory_space<hbm>>
    %dma_wait3A_559 = arith.constant 0 : i32
    %dma_wait3A_560 = arith.constant 0 : i32
    %dma_wait3A_561 = tpu.memref_slice %arg6[%dma_wait3A_550, %dma_wait3A_559, %dma_wait3A_560] : memref<6x16x1024xf32, #tpu.memory_space<vmem>> -> memref<1x16x1024xf32, #tpu.memory_space<vmem>>
    %dma_wait3A_562 = tpu.memref_squeeze %dma_wait3A_561 : memref<1x16x1024xf32, #tpu.memory_space<vmem>> -> memref<16x1024xf32, #tpu.memory_space<vmem>>
    tpu.wait_dma2 semaphore(%arg16 : memref<!tpu.dma_semaphore, #tpu.memory_space<semaphore_mem>>) src(%dma_wait3A_562 : memref<16x1024xf32, #tpu.memory_space<vmem>>) dst(%dma_wait3A_558 : memref<16x1024xf32, #tpu.memory_space<hbm>>)
    %dma_start3A_563 = arith.constant 3 : i32
    %dma_start3A_564 = arith.constant 0 : i32
    %dma_start3A_565 = arith.constant 0 : i32
    %dma_start3A_566 = tpu.memref_slice %arg6[%dma_start3A_563, %dma_start3A_564, %dma_start3A_565] : memref<6x16x1024xf32, #tpu.memory_space<vmem>> -> memref<1x16x1024xf32, #tpu.memory_space<vmem>>
    %dma_start3A_567 = tpu.memref_squeeze %dma_start3A_566 : memref<1x16x1024xf32, #tpu.memory_space<vmem>> -> memref<16x1024xf32, #tpu.memory_space<vmem>>
    %dma_start3A_568 = arith.constant 240 : i32
    %dma_start3A_569 = tpu.memref_slice %arg5[%dma_start3A_568] : memref<256xi32, #tpu.memory_space<vmem>> -> memref<16xi32, #tpu.memory_space<vmem>>
    %dma_start3A_570 = arith.constant 0 : i32
    %dma_start3A_571 = arith.constant 0 : i32
    %dma_start3A_572 = tpu.memref_slice %arg2[%dma_start3A_570, %dma_start3A_571] : memref<100000x1024xf32, #tpu.memory_space<hbm>> -> memref<100000x1024xf32, #tpu.memory_space<hbm>>
    tpu.enqueue_indirect_dma source(%dma_start3A_572 : memref<100000x1024xf32, #tpu.memory_space<hbm>>) target(%dma_start3A_567 : memref<16x1024xf32, #tpu.memory_space<vmem>>) offsets(%dma_start3A_569 : memref<16xi32, #tpu.memory_space<vmem>>) semaphore(%arg10 : memref<!tpu.dma_semaphore, #tpu.memory_space<semaphore_mem>>)
    %dma_wait3A_573 = arith.constant 4 : i32
    %dma_wait3A_574 = arith.constant 0 : i32
    %dma_wait3A_575 = arith.constant 0 : i32
    %dma_wait3A_576 = tpu.memref_slice %arg6[%dma_wait3A_573, %dma_wait3A_574, %dma_wait3A_575] : memref<6x16x1024xf32, #tpu.memory_space<vmem>> -> memref<1x16x1024xf32, #tpu.memory_space<vmem>>
    %dma_wait3A_577 = tpu.memref_squeeze %dma_wait3A_576 : memref<1x16x1024xf32, #tpu.memory_space<vmem>> -> memref<16x1024xf32, #tpu.memory_space<vmem>>
    %dma_wait3A_578 = arith.constant 160 : i32
    %dma_wait3A_579 = tpu.memref_slice %arg5[%dma_wait3A_578] : memref<256xi32, #tpu.memory_space<vmem>> -> memref<16xi32, #tpu.memory_space<vmem>>
    %dma_wait3A_580 = arith.constant 0 : i32
    %dma_wait3A_581 = arith.constant 0 : i32
    %dma_wait3A_582 = tpu.memref_slice %arg2[%dma_wait3A_580, %dma_wait3A_581] : memref<100000x1024xf32, #tpu.memory_space<hbm>> -> memref<100000x1024xf32, #tpu.memory_space<hbm>>
    tpu.wait_indirect_dma semaphore(%arg11 : memref<!tpu.dma_semaphore, #tpu.memory_space<semaphore_mem>>) src(%dma_wait3A_582 : memref<100000x1024xf32, #tpu.memory_space<hbm>>) dst(%dma_wait3A_577 : memref<16x1024xf32, #tpu.memory_space<vmem>>)
    %add3A_583 = arith.constant 160 : i32
    %add3A_584 = arith.addi %mul3A_2, %add3A_583 : i32
    %dma_start3A_585 = arith.constant 4 : i32
    %dma_start3A_586 = arith.constant 0 : i32
    %dma_start3A_587 = arith.constant 0 : i32
    %dma_start3A_588 = tpu.memref_slice %arg6[%dma_start3A_585, %dma_start3A_586, %dma_start3A_587] : memref<6x16x1024xf32, #tpu.memory_space<vmem>> -> memref<1x16x1024xf32, #tpu.memory_space<vmem>>
    %dma_start3A_589 = tpu.memref_squeeze %dma_start3A_588 : memref<1x16x1024xf32, #tpu.memory_space<vmem>> -> memref<16x1024xf32, #tpu.memory_space<vmem>>
    %dma_start3A_590 = arith.constant 0 : i32
    %dma_start3A_591 = tpu.memref_slice %arg4[%add3A_584, %dma_start3A_590] : memref<8192x1024xf32, #tpu.memory_space<hbm>> -> memref<16x1024xf32, #tpu.memory_space<hbm>>
    %dma_start3A_592 = arith.constant 0 : i32
    %dma_start3A_593 = tpu.memref_slice %arg4[%add3A_584, %dma_start3A_592] : memref<8192x1024xf32, #tpu.memory_space<hbm>> -> memref<16x1024xf32, #tpu.memory_space<hbm>>
    %dma_start3A_594 = arith.constant 0 : i32
    %dma_start3A_595 = arith.constant 0 : i32
    %dma_start3A_596 = tpu.memref_slice %arg6[%dma_start3A_585, %dma_start3A_594, %dma_start3A_595] : memref<6x16x1024xf32, #tpu.memory_space<vmem>> -> memref<1x16x1024xf32, #tpu.memory_space<vmem>>
    %dma_start3A_597 = tpu.memref_squeeze %dma_start3A_596 : memref<1x16x1024xf32, #tpu.memory_space<vmem>> -> memref<16x1024xf32, #tpu.memory_space<vmem>>
    tpu.enqueue_dma source(%dma_start3A_597 : memref<16x1024xf32, #tpu.memory_space<vmem>>) target(%dma_start3A_593 : memref<16x1024xf32, #tpu.memory_space<hbm>>) target_semaphore(%arg17 : memref<!tpu.dma_semaphore, #tpu.memory_space<semaphore_mem>>)
    %dma_wait3A_598 = arith.constant 5 : i32
    %dma_wait3A_599 = arith.constant 0 : i32
    %dma_wait3A_600 = arith.constant 0 : i32
    %dma_wait3A_601 = tpu.memref_slice %arg6[%dma_wait3A_598, %dma_wait3A_599, %dma_wait3A_600] : memref<6x16x1024xf32, #tpu.memory_space<vmem>> -> memref<1x16x1024xf32, #tpu.memory_space<vmem>>
    %dma_wait3A_602 = tpu.memref_squeeze %dma_wait3A_601 : memref<1x16x1024xf32, #tpu.memory_space<vmem>> -> memref<16x1024xf32, #tpu.memory_space<vmem>>
    %dma_wait3A_603 = arith.constant 176 : i32
    %dma_wait3A_604 = tpu.memref_slice %arg5[%dma_wait3A_603] : memref<256xi32, #tpu.memory_space<vmem>> -> memref<16xi32, #tpu.memory_space<vmem>>
    %dma_wait3A_605 = arith.constant 0 : i32
    %dma_wait3A_606 = arith.constant 0 : i32
    %dma_wait3A_607 = tpu.memref_slice %arg2[%dma_wait3A_605, %dma_wait3A_606] : memref<100000x1024xf32, #tpu.memory_space<hbm>> -> memref<100000x1024xf32, #tpu.memory_space<hbm>>
    tpu.wait_indirect_dma semaphore(%arg12 : memref<!tpu.dma_semaphore, #tpu.memory_space<semaphore_mem>>) src(%dma_wait3A_607 : memref<100000x1024xf32, #tpu.memory_space<hbm>>) dst(%dma_wait3A_602 : memref<16x1024xf32, #tpu.memory_space<vmem>>)
    %add3A_608 = arith.constant 176 : i32
    %add3A_609 = arith.addi %mul3A_2, %add3A_608 : i32
    %dma_start3A_610 = arith.constant 5 : i32
    %dma_start3A_611 = arith.constant 0 : i32
    %dma_start3A_612 = arith.constant 0 : i32
    %dma_start3A_613 = tpu.memref_slice %arg6[%dma_start3A_610, %dma_start3A_611, %dma_start3A_612] : memref<6x16x1024xf32, #tpu.memory_space<vmem>> -> memref<1x16x1024xf32, #tpu.memory_space<vmem>>
    %dma_start3A_614 = tpu.memref_squeeze %dma_start3A_613 : memref<1x16x1024xf32, #tpu.memory_space<vmem>> -> memref<16x1024xf32, #tpu.memory_space<vmem>>
    %dma_start3A_615 = arith.constant 0 : i32
    %dma_start3A_616 = tpu.memref_slice %arg4[%add3A_609, %dma_start3A_615] : memref<8192x1024xf32, #tpu.memory_space<hbm>> -> memref<16x1024xf32, #tpu.memory_space<hbm>>
    %dma_start3A_617 = arith.constant 0 : i32
    %dma_start3A_618 = tpu.memref_slice %arg4[%add3A_609, %dma_start3A_617] : memref<8192x1024xf32, #tpu.memory_space<hbm>> -> memref<16x1024xf32, #tpu.memory_space<hbm>>
    %dma_start3A_619 = arith.constant 0 : i32
    %dma_start3A_620 = arith.constant 0 : i32
    %dma_start3A_621 = tpu.memref_slice %arg6[%dma_start3A_610, %dma_start3A_619, %dma_start3A_620] : memref<6x16x1024xf32, #tpu.memory_space<vmem>> -> memref<1x16x1024xf32, #tpu.memory_space<vmem>>
    %dma_start3A_622 = tpu.memref_squeeze %dma_start3A_621 : memref<1x16x1024xf32, #tpu.memory_space<vmem>> -> memref<16x1024xf32, #tpu.memory_space<vmem>>
    tpu.enqueue_dma source(%dma_start3A_622 : memref<16x1024xf32, #tpu.memory_space<vmem>>) target(%dma_start3A_618 : memref<16x1024xf32, #tpu.memory_space<hbm>>) target_semaphore(%arg18 : memref<!tpu.dma_semaphore, #tpu.memory_space<semaphore_mem>>)
    %dma_wait3A_623 = arith.constant 0 : i32
    %dma_wait3A_624 = arith.constant 0 : i32
    %dma_wait3A_625 = arith.constant 0 : i32
    %dma_wait3A_626 = tpu.memref_slice %arg6[%dma_wait3A_623, %dma_wait3A_624, %dma_wait3A_625] : memref<6x16x1024xf32, #tpu.memory_space<vmem>> -> memref<1x16x1024xf32, #tpu.memory_space<vmem>>
    %dma_wait3A_627 = tpu.memref_squeeze %dma_wait3A_626 : memref<1x16x1024xf32, #tpu.memory_space<vmem>> -> memref<16x1024xf32, #tpu.memory_space<vmem>>
    %dma_wait3A_628 = arith.constant 192 : i32
    %dma_wait3A_629 = tpu.memref_slice %arg5[%dma_wait3A_628] : memref<256xi32, #tpu.memory_space<vmem>> -> memref<16xi32, #tpu.memory_space<vmem>>
    %dma_wait3A_630 = arith.constant 0 : i32
    %dma_wait3A_631 = arith.constant 0 : i32
    %dma_wait3A_632 = tpu.memref_slice %arg2[%dma_wait3A_630, %dma_wait3A_631] : memref<100000x1024xf32, #tpu.memory_space<hbm>> -> memref<100000x1024xf32, #tpu.memory_space<hbm>>
    tpu.wait_indirect_dma semaphore(%arg7 : memref<!tpu.dma_semaphore, #tpu.memory_space<semaphore_mem>>) src(%dma_wait3A_632 : memref<100000x1024xf32, #tpu.memory_space<hbm>>) dst(%dma_wait3A_627 : memref<16x1024xf32, #tpu.memory_space<vmem>>)
    %add3A_633 = arith.constant 192 : i32
    %add3A_634 = arith.addi %mul3A_2, %add3A_633 : i32
    %dma_start3A_635 = arith.constant 0 : i32
    %dma_start3A_636 = arith.constant 0 : i32
    %dma_start3A_637 = arith.constant 0 : i32
    %dma_start3A_638 = tpu.memref_slice %arg6[%dma_start3A_635, %dma_start3A_636, %dma_start3A_637] : memref<6x16x1024xf32, #tpu.memory_space<vmem>> -> memref<1x16x1024xf32, #tpu.memory_space<vmem>>
    %dma_start3A_639 = tpu.memref_squeeze %dma_start3A_638 : memref<1x16x1024xf32, #tpu.memory_space<vmem>> -> memref<16x1024xf32, #tpu.memory_space<vmem>>
    %dma_start3A_640 = arith.constant 0 : i32
    %dma_start3A_641 = tpu.memref_slice %arg4[%add3A_634, %dma_start3A_640] : memref<8192x1024xf32, #tpu.memory_space<hbm>> -> memref<16x1024xf32, #tpu.memory_space<hbm>>
    %dma_start3A_642 = arith.constant 0 : i32
    %dma_start3A_643 = tpu.memref_slice %arg4[%add3A_634, %dma_start3A_642] : memref<8192x1024xf32, #tpu.memory_space<hbm>> -> memref<16x1024xf32, #tpu.memory_space<hbm>>
    %dma_start3A_644 = arith.constant 0 : i32
    %dma_start3A_645 = arith.constant 0 : i32
    %dma_start3A_646 = tpu.memref_slice %arg6[%dma_start3A_635, %dma_start3A_644, %dma_start3A_645] : memref<6x16x1024xf32, #tpu.memory_space<vmem>> -> memref<1x16x1024xf32, #tpu.memory_space<vmem>>
    %dma_start3A_647 = tpu.memref_squeeze %dma_start3A_646 : memref<1x16x1024xf32, #tpu.memory_space<vmem>> -> memref<16x1024xf32, #tpu.memory_space<vmem>>
    tpu.enqueue_dma source(%dma_start3A_647 : memref<16x1024xf32, #tpu.memory_space<vmem>>) target(%dma_start3A_643 : memref<16x1024xf32, #tpu.memory_space<hbm>>) target_semaphore(%arg13 : memref<!tpu.dma_semaphore, #tpu.memory_space<semaphore_mem>>)
    %dma_wait3A_648 = arith.constant 1 : i32
    %dma_wait3A_649 = arith.constant 0 : i32
    %dma_wait3A_650 = arith.constant 0 : i32
    %dma_wait3A_651 = tpu.memref_slice %arg6[%dma_wait3A_648, %dma_wait3A_649, %dma_wait3A_650] : memref<6x16x1024xf32, #tpu.memory_space<vmem>> -> memref<1x16x1024xf32, #tpu.memory_space<vmem>>
    %dma_wait3A_652 = tpu.memref_squeeze %dma_wait3A_651 : memref<1x16x1024xf32, #tpu.memory_space<vmem>> -> memref<16x1024xf32, #tpu.memory_space<vmem>>
    %dma_wait3A_653 = arith.constant 208 : i32
    %dma_wait3A_654 = tpu.memref_slice %arg5[%dma_wait3A_653] : memref<256xi32, #tpu.memory_space<vmem>> -> memref<16xi32, #tpu.memory_space<vmem>>
    %dma_wait3A_655 = arith.constant 0 : i32
    %dma_wait3A_656 = arith.constant 0 : i32
    %dma_wait3A_657 = tpu.memref_slice %arg2[%dma_wait3A_655, %dma_wait3A_656] : memref<100000x1024xf32, #tpu.memory_space<hbm>> -> memref<100000x1024xf32, #tpu.memory_space<hbm>>
    tpu.wait_indirect_dma semaphore(%arg8 : memref<!tpu.dma_semaphore, #tpu.memory_space<semaphore_mem>>) src(%dma_wait3A_657 : memref<100000x1024xf32, #tpu.memory_space<hbm>>) dst(%dma_wait3A_652 : memref<16x1024xf32, #tpu.memory_space<vmem>>)
    %add3A_658 = arith.constant 208 : i32
    %add3A_659 = arith.addi %mul3A_2, %add3A_658 : i32
    %dma_start3A_660 = arith.constant 1 : i32
    %dma_start3A_661 = arith.constant 0 : i32
    %dma_start3A_662 = arith.constant 0 : i32
    %dma_start3A_663 = tpu.memref_slice %arg6[%dma_start3A_660, %dma_start3A_661, %dma_start3A_662] : memref<6x16x1024xf32, #tpu.memory_space<vmem>> -> memref<1x16x1024xf32, #tpu.memory_space<vmem>>
    %dma_start3A_664 = tpu.memref_squeeze %dma_start3A_663 : memref<1x16x1024xf32, #tpu.memory_space<vmem>> -> memref<16x1024xf32, #tpu.memory_space<vmem>>
    %dma_start3A_665 = arith.constant 0 : i32
    %dma_start3A_666 = tpu.memref_slice %arg4[%add3A_659, %dma_start3A_665] : memref<8192x1024xf32, #tpu.memory_space<hbm>> -> memref<16x1024xf32, #tpu.memory_space<hbm>>
    %dma_start3A_667 = arith.constant 0 : i32
    %dma_start3A_668 = tpu.memref_slice %arg4[%add3A_659, %dma_start3A_667] : memref<8192x1024xf32, #tpu.memory_space<hbm>> -> memref<16x1024xf32, #tpu.memory_space<hbm>>
    %dma_start3A_669 = arith.constant 0 : i32
    %dma_start3A_670 = arith.constant 0 : i32
    %dma_start3A_671 = tpu.memref_slice %arg6[%dma_start3A_660, %dma_start3A_669, %dma_start3A_670] : memref<6x16x1024xf32, #tpu.memory_space<vmem>> -> memref<1x16x1024xf32, #tpu.memory_space<vmem>>
    %dma_start3A_672 = tpu.memref_squeeze %dma_start3A_671 : memref<1x16x1024xf32, #tpu.memory_space<vmem>> -> memref<16x1024xf32, #tpu.memory_space<vmem>>
    tpu.enqueue_dma source(%dma_start3A_672 : memref<16x1024xf32, #tpu.memory_space<vmem>>) target(%dma_start3A_668 : memref<16x1024xf32, #tpu.memory_space<hbm>>) target_semaphore(%arg14 : memref<!tpu.dma_semaphore, #tpu.memory_space<semaphore_mem>>)
    %dma_wait3A_673 = arith.constant 2 : i32
    %dma_wait3A_674 = arith.constant 0 : i32
    %dma_wait3A_675 = arith.constant 0 : i32
    %dma_wait3A_676 = tpu.memref_slice %arg6[%dma_wait3A_673, %dma_wait3A_674, %dma_wait3A_675] : memref<6x16x1024xf32, #tpu.memory_space<vmem>> -> memref<1x16x1024xf32, #tpu.memory_space<vmem>>
    %dma_wait3A_677 = tpu.memref_squeeze %dma_wait3A_676 : memref<1x16x1024xf32, #tpu.memory_space<vmem>> -> memref<16x1024xf32, #tpu.memory_space<vmem>>
    %dma_wait3A_678 = arith.constant 224 : i32
    %dma_wait3A_679 = tpu.memref_slice %arg5[%dma_wait3A_678] : memref<256xi32, #tpu.memory_space<vmem>> -> memref<16xi32, #tpu.memory_space<vmem>>
    %dma_wait3A_680 = arith.constant 0 : i32
    %dma_wait3A_681 = arith.constant 0 : i32
    %dma_wait3A_682 = tpu.memref_slice %arg2[%dma_wait3A_680, %dma_wait3A_681] : memref<100000x1024xf32, #tpu.memory_space<hbm>> -> memref<100000x1024xf32, #tpu.memory_space<hbm>>
    tpu.wait_indirect_dma semaphore(%arg9 : memref<!tpu.dma_semaphore, #tpu.memory_space<semaphore_mem>>) src(%dma_wait3A_682 : memref<100000x1024xf32, #tpu.memory_space<hbm>>) dst(%dma_wait3A_677 : memref<16x1024xf32, #tpu.memory_space<vmem>>)
    %add3A_683 = arith.constant 224 : i32
    %add3A_684 = arith.addi %mul3A_2, %add3A_683 : i32
    %dma_start3A_685 = arith.constant 2 : i32
    %dma_start3A_686 = arith.constant 0 : i32
    %dma_start3A_687 = arith.constant 0 : i32
    %dma_start3A_688 = tpu.memref_slice %arg6[%dma_start3A_685, %dma_start3A_686, %dma_start3A_687] : memref<6x16x1024xf32, #tpu.memory_space<vmem>> -> memref<1x16x1024xf32, #tpu.memory_space<vmem>>
    %dma_start3A_689 = tpu.memref_squeeze %dma_start3A_688 : memref<1x16x1024xf32, #tpu.memory_space<vmem>> -> memref<16x1024xf32, #tpu.memory_space<vmem>>
    %dma_start3A_690 = arith.constant 0 : i32
    %dma_start3A_691 = tpu.memref_slice %arg4[%add3A_684, %dma_start3A_690] : memref<8192x1024xf32, #tpu.memory_space<hbm>> -> memref<16x1024xf32, #tpu.memory_space<hbm>>
    %dma_start3A_692 = arith.constant 0 : i32
    %dma_start3A_693 = tpu.memref_slice %arg4[%add3A_684, %dma_start3A_692] : memref<8192x1024xf32, #tpu.memory_space<hbm>> -> memref<16x1024xf32, #tpu.memory_space<hbm>>
    %dma_start3A_694 = arith.constant 0 : i32
    %dma_start3A_695 = arith.constant 0 : i32
    %dma_start3A_696 = tpu.memref_slice %arg6[%dma_start3A_685, %dma_start3A_694, %dma_start3A_695] : memref<6x16x1024xf32, #tpu.memory_space<vmem>> -> memref<1x16x1024xf32, #tpu.memory_space<vmem>>
    %dma_start3A_697 = tpu.memref_squeeze %dma_start3A_696 : memref<1x16x1024xf32, #tpu.memory_space<vmem>> -> memref<16x1024xf32, #tpu.memory_space<vmem>>
    tpu.enqueue_dma source(%dma_start3A_697 : memref<16x1024xf32, #tpu.memory_space<vmem>>) target(%dma_start3A_693 : memref<16x1024xf32, #tpu.memory_space<hbm>>) target_semaphore(%arg15 : memref<!tpu.dma_semaphore, #tpu.memory_space<semaphore_mem>>)
    %dma_wait3A_698 = arith.constant 3 : i32
    %dma_wait3A_699 = arith.constant 0 : i32
    %dma_wait3A_700 = arith.constant 0 : i32
    %dma_wait3A_701 = tpu.memref_slice %arg6[%dma_wait3A_698, %dma_wait3A_699, %dma_wait3A_700] : memref<6x16x1024xf32, #tpu.memory_space<vmem>> -> memref<1x16x1024xf32, #tpu.memory_space<vmem>>
    %dma_wait3A_702 = tpu.memref_squeeze %dma_wait3A_701 : memref<1x16x1024xf32, #tpu.memory_space<vmem>> -> memref<16x1024xf32, #tpu.memory_space<vmem>>
    %dma_wait3A_703 = arith.constant 240 : i32
    %dma_wait3A_704 = tpu.memref_slice %arg5[%dma_wait3A_703] : memref<256xi32, #tpu.memory_space<vmem>> -> memref<16xi32, #tpu.memory_space<vmem>>
    %dma_wait3A_705 = arith.constant 0 : i32
    %dma_wait3A_706 = arith.constant 0 : i32
    %dma_wait3A_707 = tpu.memref_slice %arg2[%dma_wait3A_705, %dma_wait3A_706] : memref<100000x1024xf32, #tpu.memory_space<hbm>> -> memref<100000x1024xf32, #tpu.memory_space<hbm>>
    tpu.wait_indirect_dma semaphore(%arg10 : memref<!tpu.dma_semaphore, #tpu.memory_space<semaphore_mem>>) src(%dma_wait3A_707 : memref<100000x1024xf32, #tpu.memory_space<hbm>>) dst(%dma_wait3A_702 : memref<16x1024xf32, #tpu.memory_space<vmem>>)
    %add3A_708 = arith.constant 240 : i32
    %add3A_709 = arith.addi %mul3A_2, %add3A_708 : i32
    %dma_start3A_710 = arith.constant 3 : i32
    %dma_start3A_711 = arith.constant 0 : i32
    %dma_start3A_712 = arith.constant 0 : i32
    %dma_start3A_713 = tpu.memref_slice %arg6[%dma_start3A_710, %dma_start3A_711, %dma_start3A_712] : memref<6x16x1024xf32, #tpu.memory_space<vmem>> -> memref<1x16x1024xf32, #tpu.memory_space<vmem>>
    %dma_start3A_714 = tpu.memref_squeeze %dma_start3A_713 : memref<1x16x1024xf32, #tpu.memory_space<vmem>> -> memref<16x1024xf32, #tpu.memory_space<vmem>>
    %dma_start3A_715 = arith.constant 0 : i32
    %dma_start3A_716 = tpu.memref_slice %arg4[%add3A_709, %dma_start3A_715] : memref<8192x1024xf32, #tpu.memory_space<hbm>> -> memref<16x1024xf32, #tpu.memory_space<hbm>>
    %dma_start3A_717 = arith.constant 0 : i32
    %dma_start3A_718 = tpu.memref_slice %arg4[%add3A_709, %dma_start3A_717] : memref<8192x1024xf32, #tpu.memory_space<hbm>> -> memref<16x1024xf32, #tpu.memory_space<hbm>>
    %dma_start3A_719 = arith.constant 0 : i32
    %dma_start3A_720 = arith.constant 0 : i32
    %dma_start3A_721 = tpu.memref_slice %arg6[%dma_start3A_710, %dma_start3A_719, %dma_start3A_720] : memref<6x16x1024xf32, #tpu.memory_space<vmem>> -> memref<1x16x1024xf32, #tpu.memory_space<vmem>>
    %dma_start3A_722 = tpu.memref_squeeze %dma_start3A_721 : memref<1x16x1024xf32, #tpu.memory_space<vmem>> -> memref<16x1024xf32, #tpu.memory_space<vmem>>
    tpu.enqueue_dma source(%dma_start3A_722 : memref<16x1024xf32, #tpu.memory_space<vmem>>) target(%dma_start3A_718 : memref<16x1024xf32, #tpu.memory_space<hbm>>) target_semaphore(%arg16 : memref<!tpu.dma_semaphore, #tpu.memory_space<semaphore_mem>>)
    %dma_wait3A_723 = arith.constant 4 : i32
    %dma_wait3A_724 = arith.constant 0 : i32
    %dma_wait3A_725 = arith.constant 0 : i32
    %dma_wait3A_726 = tpu.memref_slice %arg6[%dma_wait3A_723, %dma_wait3A_724, %dma_wait3A_725] : memref<6x16x1024xf32, #tpu.memory_space<vmem>> -> memref<1x16x1024xf32, #tpu.memory_space<vmem>>
    %dma_wait3A_727 = tpu.memref_squeeze %dma_wait3A_726 : memref<1x16x1024xf32, #tpu.memory_space<vmem>> -> memref<16x1024xf32, #tpu.memory_space<vmem>>
    %dma_wait3A_728 = arith.constant 0 : i32
    %dma_wait3A_729 = tpu.memref_slice %arg4[%add3A_584, %dma_wait3A_728] : memref<8192x1024xf32, #tpu.memory_space<hbm>> -> memref<16x1024xf32, #tpu.memory_space<hbm>>
    %dma_wait3A_730 = arith.constant 0 : i32
    %dma_wait3A_731 = tpu.memref_slice %arg4[%add3A_584, %dma_wait3A_730] : memref<8192x1024xf32, #tpu.memory_space<hbm>> -> memref<16x1024xf32, #tpu.memory_space<hbm>>
    %dma_wait3A_732 = arith.constant 0 : i32
    %dma_wait3A_733 = arith.constant 0 : i32
    %dma_wait3A_734 = tpu.memref_slice %arg6[%dma_wait3A_723, %dma_wait3A_732, %dma_wait3A_733] : memref<6x16x1024xf32, #tpu.memory_space<vmem>> -> memref<1x16x1024xf32, #tpu.memory_space<vmem>>
    %dma_wait3A_735 = tpu.memref_squeeze %dma_wait3A_734 : memref<1x16x1024xf32, #tpu.memory_space<vmem>> -> memref<16x1024xf32, #tpu.memory_space<vmem>>
    tpu.wait_dma2 semaphore(%arg17 : memref<!tpu.dma_semaphore, #tpu.memory_space<semaphore_mem>>) src(%dma_wait3A_735 : memref<16x1024xf32, #tpu.memory_space<vmem>>) dst(%dma_wait3A_731 : memref<16x1024xf32, #tpu.memory_space<hbm>>)
    %dma_wait3A_736 = arith.constant 5 : i32
    %dma_wait3A_737 = arith.constant 0 : i32
    %dma_wait3A_738 = arith.constant 0 : i32
    %dma_wait3A_739 = tpu.memref_slice %arg6[%dma_wait3A_736, %dma_wait3A_737, %dma_wait3A_738] : memref<6x16x1024xf32, #tpu.memory_space<vmem>> -> memref<1x16x1024xf32, #tpu.memory_space<vmem>>
    %dma_wait3A_740 = tpu.memref_squeeze %dma_wait3A_739 : memref<1x16x1024xf32, #tpu.memory_space<vmem>> -> memref<16x1024xf32, #tpu.memory_space<vmem>>
    %dma_wait3A_741 = arith.constant 0 : i32
    %dma_wait3A_742 = tpu.memref_slice %arg4[%add3A_609, %dma_wait3A_741] : memref<8192x1024xf32, #tpu.memory_space<hbm>> -> memref<16x1024xf32, #tpu.memory_space<hbm>>
    %dma_wait3A_743 = arith.constant 0 : i32
    %dma_wait3A_744 = tpu.memref_slice %arg4[%add3A_609, %dma_wait3A_743] : memref<8192x1024xf32, #tpu.memory_space<hbm>> -> memref<16x1024xf32, #tpu.memory_space<hbm>>
    %dma_wait3A_745 = arith.constant 0 : i32
    %dma_wait3A_746 = arith.constant 0 : i32
    %dma_wait3A_747 = tpu.memref_slice %arg6[%dma_wait3A_736, %dma_wait3A_745, %dma_wait3A_746] : memref<6x16x1024xf32, #tpu.memory_space<vmem>> -> memref<1x16x1024xf32, #tpu.memory_space<vmem>>
    %dma_wait3A_748 = tpu.memref_squeeze %dma_wait3A_747 : memref<1x16x1024xf32, #tpu.memory_space<vmem>> -> memref<16x1024xf32, #tpu.memory_space<vmem>>
    tpu.wait_dma2 semaphore(%arg18 : memref<!tpu.dma_semaphore, #tpu.memory_space<semaphore_mem>>) src(%dma_wait3A_748 : memref<16x1024xf32, #tpu.memory_space<vmem>>) dst(%dma_wait3A_744 : memref<16x1024xf32, #tpu.memory_space<hbm>>)
    %dma_wait3A_749 = arith.constant 0 : i32
    %dma_wait3A_750 = arith.constant 0 : i32
    %dma_wait3A_751 = arith.constant 0 : i32
    %dma_wait3A_752 = tpu.memref_slice %arg6[%dma_wait3A_749, %dma_wait3A_750, %dma_wait3A_751] : memref<6x16x1024xf32, #tpu.memory_space<vmem>> -> memref<1x16x1024xf32, #tpu.memory_space<vmem>>
    %dma_wait3A_753 = tpu.memref_squeeze %dma_wait3A_752 : memref<1x16x1024xf32, #tpu.memory_space<vmem>> -> memref<16x1024xf32, #tpu.memory_space<vmem>>
    %dma_wait3A_754 = arith.constant 0 : i32
    %dma_wait3A_755 = tpu.memref_slice %arg4[%add3A_634, %dma_wait3A_754] : memref<8192x1024xf32, #tpu.memory_space<hbm>> -> memref<16x1024xf32, #tpu.memory_space<hbm>>
    %dma_wait3A_756 = arith.constant 0 : i32
    %dma_wait3A_757 = tpu.memref_slice %arg4[%add3A_634, %dma_wait3A_756] : memref<8192x1024xf32, #tpu.memory_space<hbm>> -> memref<16x1024xf32, #tpu.memory_space<hbm>>
    %dma_wait3A_758 = arith.constant 0 : i32
    %dma_wait3A_759 = arith.constant 0 : i32
    %dma_wait3A_760 = tpu.memref_slice %arg6[%dma_wait3A_749, %dma_wait3A_758, %dma_wait3A_759] : memref<6x16x1024xf32, #tpu.memory_space<vmem>> -> memref<1x16x1024xf32, #tpu.memory_space<vmem>>
    %dma_wait3A_761 = tpu.memref_squeeze %dma_wait3A_760 : memref<1x16x1024xf32, #tpu.memory_space<vmem>> -> memref<16x1024xf32, #tpu.memory_space<vmem>>
    tpu.wait_dma2 semaphore(%arg13 : memref<!tpu.dma_semaphore, #tpu.memory_space<semaphore_mem>>) src(%dma_wait3A_761 : memref<16x1024xf32, #tpu.memory_space<vmem>>) dst(%dma_wait3A_757 : memref<16x1024xf32, #tpu.memory_space<hbm>>)
    %dma_wait3A_762 = arith.constant 1 : i32
    %dma_wait3A_763 = arith.constant 0 : i32
    %dma_wait3A_764 = arith.constant 0 : i32
    %dma_wait3A_765 = tpu.memref_slice %arg6[%dma_wait3A_762, %dma_wait3A_763, %dma_wait3A_764] : memref<6x16x1024xf32, #tpu.memory_space<vmem>> -> memref<1x16x1024xf32, #tpu.memory_space<vmem>>
    %dma_wait3A_766 = tpu.memref_squeeze %dma_wait3A_765 : memref<1x16x1024xf32, #tpu.memory_space<vmem>> -> memref<16x1024xf32, #tpu.memory_space<vmem>>
    %dma_wait3A_767 = arith.constant 0 : i32
    %dma_wait3A_768 = tpu.memref_slice %arg4[%add3A_659, %dma_wait3A_767] : memref<8192x1024xf32, #tpu.memory_space<hbm>> -> memref<16x1024xf32, #tpu.memory_space<hbm>>
    %dma_wait3A_769 = arith.constant 0 : i32
    %dma_wait3A_770 = tpu.memref_slice %arg4[%add3A_659, %dma_wait3A_769] : memref<8192x1024xf32, #tpu.memory_space<hbm>> -> memref<16x1024xf32, #tpu.memory_space<hbm>>
    %dma_wait3A_771 = arith.constant 0 : i32
    %dma_wait3A_772 = arith.constant 0 : i32
    %dma_wait3A_773 = tpu.memref_slice %arg6[%dma_wait3A_762, %dma_wait3A_771, %dma_wait3A_772] : memref<6x16x1024xf32, #tpu.memory_space<vmem>> -> memref<1x16x1024xf32, #tpu.memory_space<vmem>>
    %dma_wait3A_774 = tpu.memref_squeeze %dma_wait3A_773 : memref<1x16x1024xf32, #tpu.memory_space<vmem>> -> memref<16x1024xf32, #tpu.memory_space<vmem>>
    tpu.wait_dma2 semaphore(%arg14 : memref<!tpu.dma_semaphore, #tpu.memory_space<semaphore_mem>>) src(%dma_wait3A_774 : memref<16x1024xf32, #tpu.memory_space<vmem>>) dst(%dma_wait3A_770 : memref<16x1024xf32, #tpu.memory_space<hbm>>)
    %dma_wait3A_775 = arith.constant 2 : i32
    %dma_wait3A_776 = arith.constant 0 : i32
    %dma_wait3A_777 = arith.constant 0 : i32
    %dma_wait3A_778 = tpu.memref_slice %arg6[%dma_wait3A_775, %dma_wait3A_776, %dma_wait3A_777] : memref<6x16x1024xf32, #tpu.memory_space<vmem>> -> memref<1x16x1024xf32, #tpu.memory_space<vmem>>
    %dma_wait3A_779 = tpu.memref_squeeze %dma_wait3A_778 : memref<1x16x1024xf32, #tpu.memory_space<vmem>> -> memref<16x1024xf32, #tpu.memory_space<vmem>>
    %dma_wait3A_780 = arith.constant 0 : i32
    %dma_wait3A_781 = tpu.memref_slice %arg4[%add3A_684, %dma_wait3A_780] : memref<8192x1024xf32, #tpu.memory_space<hbm>> -> memref<16x1024xf32, #tpu.memory_space<hbm>>
    %dma_wait3A_782 = arith.constant 0 : i32
    %dma_wait3A_783 = tpu.memref_slice %arg4[%add3A_684, %dma_wait3A_782] : memref<8192x1024xf32, #tpu.memory_space<hbm>> -> memref<16x1024xf32, #tpu.memory_space<hbm>>
    %dma_wait3A_784 = arith.constant 0 : i32
    %dma_wait3A_785 = arith.constant 0 : i32
    %dma_wait3A_786 = tpu.memref_slice %arg6[%dma_wait3A_775, %dma_wait3A_784, %dma_wait3A_785] : memref<6x16x1024xf32, #tpu.memory_space<vmem>> -> memref<1x16x1024xf32, #tpu.memory_space<vmem>>
    %dma_wait3A_787 = tpu.memref_squeeze %dma_wait3A_786 : memref<1x16x1024xf32, #tpu.memory_space<vmem>> -> memref<16x1024xf32, #tpu.memory_space<vmem>>
    tpu.wait_dma2 semaphore(%arg15 : memref<!tpu.dma_semaphore, #tpu.memory_space<semaphore_mem>>) src(%dma_wait3A_787 : memref<16x1024xf32, #tpu.memory_space<vmem>>) dst(%dma_wait3A_783 : memref<16x1024xf32, #tpu.memory_space<hbm>>)
    %dma_wait3A_788 = arith.constant 3 : i32
    %dma_wait3A_789 = arith.constant 0 : i32
    %dma_wait3A_790 = arith.constant 0 : i32
    %dma_wait3A_791 = tpu.memref_slice %arg6[%dma_wait3A_788, %dma_wait3A_789, %dma_wait3A_790] : memref<6x16x1024xf32, #tpu.memory_space<vmem>> -> memref<1x16x1024xf32, #tpu.memory_space<vmem>>
    %dma_wait3A_792 = tpu.memref_squeeze %dma_wait3A_791 : memref<1x16x1024xf32, #tpu.memory_space<vmem>> -> memref<16x1024xf32, #tpu.memory_space<vmem>>
    %dma_wait3A_793 = arith.constant 0 : i32
    %dma_wait3A_794 = tpu.memref_slice %arg4[%add3A_709, %dma_wait3A_793] : memref<8192x1024xf32, #tpu.memory_space<hbm>> -> memref<16x1024xf32, #tpu.memory_space<hbm>>
    %dma_wait3A_795 = arith.constant 0 : i32
    %dma_wait3A_796 = tpu.memref_slice %arg4[%add3A_709, %dma_wait3A_795] : memref<8192x1024xf32, #tpu.memory_space<hbm>> -> memref<16x1024xf32, #tpu.memory_space<hbm>>
    %dma_wait3A_797 = arith.constant 0 : i32
    %dma_wait3A_798 = arith.constant 0 : i32
    %dma_wait3A_799 = tpu.memref_slice %arg6[%dma_wait3A_788, %dma_wait3A_797, %dma_wait3A_798] : memref<6x16x1024xf32, #tpu.memory_space<vmem>> -> memref<1x16x1024xf32, #tpu.memory_space<vmem>>
    %dma_wait3A_800 = tpu.memref_squeeze %dma_wait3A_799 : memref<1x16x1024xf32, #tpu.memory_space<vmem>> -> memref<16x1024xf32, #tpu.memory_space<vmem>>
    tpu.wait_dma2 semaphore(%arg16 : memref<!tpu.dma_semaphore, #tpu.memory_space<semaphore_mem>>) src(%dma_wait3A_800 : memref<16x1024xf32, #tpu.memory_space<vmem>>) dst(%dma_wait3A_796 : memref<16x1024xf32, #tpu.memory_space<hbm>>)
    return
  }
}

</mosaic_0001>

<sc_bundles>
// kernel: kernel.3.cloned.1.call-start
scs
__scs_entry_jumppad:
0x0: {  	(pc) =	sbr.rel $0x88, $3  }
0x1: {  	(tag) =	ssettag $0x0;
	lr =	simm.s32 $0x1  }
0x2: {  	[smem:$0x3F9F] =	sst lr;
	_ =	strace $0xD0000000  }
0x3: {  	_ = 	snop  }
0x4: {  	_ = 	snop  }
0x5: {  	_ = 	snop  }
0x6: {  	_ = 	snop  }
0x7: {  	_ = 	snop  }
__scs_overlays_trampoline_lowered:
0x8: {  	[smem:$0x3FAE] =	sst s0  }
0x9: {  	[smem:$0x3FAF] =	sst s1  }
0xa: {  	[smem:$0x3FB0] =	sst s2  }
0xb: {  	[smem:$0x3FB1] =	sst s3  }
0xc: {  	[smem:$0x3FB2] =	sst s4  }
0xd: {  	[smem:$0x3FB3] =	sst s5  }
0xe: {  	[smem:$0x3FB4] =	sst s6  }
0xf: {  	[smem:$0x3FB5] =	sst s7  }
0x10: {  	[smem:$0x3FB6] =	sst s8  }
0x11: {  	[smem:$0x3FB7] =	sst s9;
	s0 =	simm.s32 @!p0 $0x0  }
0x12: {  	s1 =	sld [smem:$0x3F9D];
	s0 =	simm.s32 @p0 $0x1  }
0x13: {  	[smem:$0x3FB8] =	sst s0;
	s0 =	simm.s32 @!p1 $0x0  }
0x14: {  	s2 =	sld [smem:$0x3F9C];
	s0 =	simm.s32 @p1 $0x1  }
0x15: {  	[smem:$0x3FB9] =	sst s0;
	s0 =	simm.s32 @!p2 $0x0  }
0x16: {  	s3 =	sld [smem:$0x3FDB];
	s0 =	simm.s32 @p2 $0x1  }
0x17: {  	s4 =	simm.s32 $0x1BF5;
	[smem:$0x3FBB] =	sst s0  }
0x18: {  	s0 =	sld [smem:$0x3F9E];
	_ =	swait.ge [sflag:s4], $0x0  }
0x19: {  	s7 =	sld [smem:$0x3F9F]  }
0x1a: {  	s8 =	sadd.s32 $0xFFFFE003, lr  }
0x1b: {  	s9 =	sadd.s32 $0xFFFFFEF7, lr;
	s5 =	simm.s32 $0xFFFFFFFF;
	p2 =	slt.u32 s8, $0xFFFFF086  }
0x1c: {  	p1 =	slt.u32 s9, $0xF7A;
	s5 =	simm.s32 @!p2 $0x0  }
0x1d: {  	s5 =	simm.s32 @p1 $0x1;
	p0 =	seq.s32 s7, s2  }
0x1e: {  	s7 =	smul.u32 @!p0 $0xF7A, s2;
	p2 =	seq.s32 @!p0 s5, $0x0  }
0x1f: {  	s9 =	smul.u32 $0xF7A, s1;
	s8 =	simm.s32 @!p0 $0x1BF5;
	p2 =	por !p2, p0  }
0x20: {  	[sflag:s8] =	ssyncset.s32 @!p0 $0xFFFFF086;
	s6 =	sadd.s32 @!p0 s3, s7;
	s7 =	simm.s32 @!p0 $0x108  }
0x21: {  	s3 =	sadd.s32 s3, s9;
	s6 =	sadd.s32 @!p0 $0x88, s6;
	s7 =	simm.s32 @p2 $0x1082  }
0x22: {  	[simem:s7], [sflag:s8] =	dma.local @!p0 [hbm:s6], $0xF7A  }
0x23: {  	s9 =	sor.u32 $0xD0000000, s2;
	s6 =	simm.s32 $0x108;
	_ =	swait.ge @!p0 [sflag:s8], $0x0  }
0x24: {  	s3 =	sadd.s32 $0x88, s3;
	s6 =	simm.s32 @!p1 $0x1082;
	[sflag:s4] =	ssyncset.s32 $0xFFFFF086  }
0x25: {  	[simem:s6], [sflag:s4] =	dma.local [hbm:s3], $0xF7A  }
0x26: {  	[smem:$0x3F9F] =	sst s1;
	(tag) =	ssettag s2;
	_ =	strace s9  }
0x27: {  	s1 =	sld [smem:$0x3FAF]  }
0x28: {  	s2 =	sld [smem:$0x3FB0]  }
0x29: {  	s4 =	sld [smem:$0x3FB2]  }
0x2a: {  	p0 =	seq.s32 s5, $0x0;
	s5 =	sld [smem:$0x3FB3]  }
0x2b: {  	s6 =	sld [smem:$0x3FB4]  }
0x2c: {  	s7 =	sld [smem:$0x3FB5]  }
0x2d: {  	s3 =	simm.s32 $0x108;
	s8 =	sld [smem:$0x3FB6]  }
0x2e: {  	s3 =	simm.s32 @!p0 $0x1082;
	s9 =	sld [smem:$0x3FB7]  }
0x2f: {  	lr =	sadd.s32 s0, s3;
	s0 =	sld [smem:$0x3FAE]  }
0x30: {  	s3 =	sld [smem:$0x3FB1]  }
0x31: {  	[smem:$0x3FBA] =	sst s10  }
0x32: {  	s10 =	sld [smem:$0x3FB8];
	_ =	sdelay $0x3  }
0x33: {  	p0 =	seq.s32 s10, $0x1;
	s10 =	sld [smem:$0x3FBA];
	_ =	sdelay $0x3  }
0x34: {  	[smem:$0x3FBA] =	sst s10  }
0x35: {  	s10 =	sld [smem:$0x3FB9];
	_ =	sdelay $0x3  }
0x36: {  	p1 =	seq.s32 s10, $0x1;
	s10 =	sld [smem:$0x3FBA];
	_ =	sdelay $0x3  }
0x37: {  	[smem:$0x3FBA] =	sst s10  }
0x38: {  	s10 =	sld [smem:$0x3FBB]  }
0x39: {  	_ = 	snop;
	(pc) =	sbr.ind lr, $3  }
0x3a: {  	_ = 	snop  }
0x3b: {  	_ = 	snop  }
0x3c: {  	p2 =	seq.s32 s10, $0x1;
	s10 =	sld [smem:$0x3FBA]  }
0x3d: {  	_ =	shalt  }
0x3e: {  	_ =	shalt  }
0x3f: {  	_ =	shalt  }
0x40: {  	_ =	shalt  }
0x41: {  	_ =	shalt  }
0x42: {  	_ =	shalt  }
0x43: {  	_ =	shalt  }
0x44: {  	_ =	shalt  }
0x45: {  	_ =	shalt  }
0x46: {  	_ =	shalt  }
0x47: {  	_ =	shalt  }
0x48: {  	_ =	shalt  }
0x49: {  	_ =	shalt  }
0x4a: {  	_ =	shalt  }
0x4b: {  	_ =	shalt  }
0x4c: {  	_ =	shalt  }
0x4d: {  	_ =	shalt  }
0x4e: {  	_ =	shalt  }
0x4f: {  	_ =	shalt  }
0x50: {  	_ =	shalt  }
0x51: {  	_ =	shalt  }
0x52: {  	_ =	shalt  }
0x53: {  	_ =	shalt  }
0x54: {  	_ =	shalt  }
0x55: {  	_ =	shalt  }
0x56: {  	_ =	shalt  }
0x57: {  	_ =	shalt  }
0x58: {  	_ =	shalt  }
0x59: {  	_ =	shalt  }
0x5a: {  	_ =	shalt  }
0x5b: {  	_ =	shalt  }
0x5c: {  	_ =	shalt  }
0x5d: {  	_ =	shalt  }
0x5e: {  	_ =	shalt  }
0x5f: {  	_ =	shalt  }
0x60: {  	_ =	shalt  }
0x61: {  	_ =	shalt  }
0x62: {  	_ =	shalt  }
0x63: {  	_ =	shalt  }
0x64: {  	_ =	shalt  }
0x65: {  	_ =	shalt  }
0x66: {  	_ =	shalt  }
0x67: {  	_ =	shalt  }
0x68: {  	_ =	shalt  }
0x69: {  	_ =	shalt  }
0x6a: {  	_ =	shalt  }
0x6b: {  	_ =	shalt  }
0x6c: {  	_ =	shalt  }
0x6d: {  	_ =	shalt  }
0x6e: {  	_ =	shalt  }
0x6f: {  	_ =	shalt  }
0x70: {  	_ =	shalt  }
0x71: {  	_ =	shalt  }
0x72: {  	_ =	shalt  }
0x73: {  	_ =	shalt  }
0x74: {  	_ =	shalt  }
0x75: {  	_ =	shalt  }
0x76: {  	_ =	shalt  }
0x77: {  	_ =	shalt  }
0x78: {  	_ =	shalt  }
0x79: {  	_ =	shalt  }
0x7a: {  	_ =	shalt  }
0x7b: {  	_ =	shalt  }
0x7c: {  	_ =	shalt  }
0x7d: {  	_ =	shalt  }
0x7e: {  	_ =	shalt  }
0x7f: {  	_ =	shalt  }
0x80: {  	_ =	shalt  }
0x81: {  	_ =	shalt  }
0x82: {  	_ =	shalt  }
0x83: {  	_ =	shalt  }
0x84: {  	_ =	shalt  }
0x85: {  	_ =	shalt  }
0x86: {  	_ =	shalt  }
0x87: {  	_ =	shalt  }
.Lfunc_end0:
.L_simem_size_0:
called_computation_lowered:
.L_overlay_start_0:
0x88: {  	s2 =	sld [smem:$0x3FD9]  }
0x89: {  	s3 =	sld [smem:$0x3FFE];
	_ =	sdelay $0x1  }
0x8a: {  	s1 =	srdreg.scid  }
0x8b: {  	s0 =	sand.u32 $0x1, s1  }
0x8c: {  	s18 =	sshll.u32 s0, $0xA;
	s2 =	sadd.s32 s3, s2  }
0x8d: {  	s2 =	sadd.s32 s2, s18  }
0x8e: {  	[smem:$0x3FC6] =	sst s2  }
0x8f: {  	_ = 	snop  }
0x90: {  	s2 =	sld [smem:$0x3FC9]  }
0x91: {  	s19 =	sld [smem:$0x3FC8]  }
0x92: {  	s4 =	sld [smem:$0x3FD0];
	(tm) =	ssettm $0x1  }
0x93: {  	s5 =	sld [smem:$0x3FFB];
	_ =	sdelay $0x3  }
0x94: {  	_ =	strace s5  }
0x95: {  	s5 =	sld [smem:$0x3FFC];
	_ =	sdelay $0x3  }
0x96: {  	_ =	strace s5  }
0x97: {  	s5 =	sld [smem:$0x3FFD];
	_ =	sdelay $0x3  }
0x98: {  	_ =	strace s5  }
0x99: {  	_ =	strace $0x8FFFFFFF  }
0x9a: {  	s20 =	sld [smem:$0x3FDB];
	_ =	sdelay $0x1  }
0x9b: {  	s6 =	simm.s32 $_scs_section_size  }
0x9c: {  	s7 =	simm.s32 $_size__tile_overlayer_lowered;
	s8 =	simm.s32 $_tile_overlayer_lowered  }
0x9d: {  	s23 =	simm.s32 $0x1BFF;
	s22 =	sshll.u32 s8, $0x1;
	s5 =	sadd.s32 s6, s20  }
0x9e: {  	s9 =	simm.s32 $0x0;
	s21 =	sshll.u32 s7, $0x1;
	s7 =	sadd.s32 s22, s5  }
0x9f: {  	[timem:s9], [sflag:s23] =	dma.local [hbm:s7], s21  }
0xa0: {  	_ =	swait.ge [sflag:s23], s21  }
0xa1: {  	s6 =	ssub.s32 $0x0, s21;
	[sflag:s23] =	ssyncset.done $0x0  }
0xa2: {  	[sflag:s23] =	ssyncadd.s32 s6;
	_ =	sdelay $0x1  }
0xa3: {  	s24 =	simm.s32 $0x1B8B  }
0xa4: {  	_ =	swait.ge [sflag:s24], $0x1  }
0xa5: {  	[sflag:s24] =	ssyncset.done $0x0  }
0xa6: {  	s25 =	simm.s32 $0x1B8E;
	[sflag:s24] =	ssyncadd.s32 $0xFFFFFFFF  }
0xa7: {  	s26 =	simm.s32 $execute0_lowered;
	[smem:$0x3FD2] =	sst s25  }
0xa8: {  	s6 =	sshll.u32 s26, $0x1;
	_ =	strace $0x80000046;
	[dreg:$0x1] =	wrdreg $0xFFFFFFFF  }
0xa9: {  	s28 =	simm.s32 $_size_execute0_lowered;
	s5 =	sadd.s32 s5, s6;
	[dreg:$0x0] =	wrdreg $0x0  }
0xaa: {  	s6 =	sshll.u32 s28, $0x1;
	[dreg:$0x2] =	wrdreg s5  }
0xab: {  	[dreg:$0x3] =	wrdreg s6  }
0xac: {  	[dreg:$0x4] =	wrdreg $0xC0  }
0xad: {  	_ =	task [dreg:s9], $0x5FFFF  }
0xae: {  	[dreg:$0x1] =	wrdreg $0xFFFFFFFF  }
0xaf: {  	[dreg:$0x0] =	wrdreg $0x60  }
0xb0: {  	[dreg:$0x2] =	wrdreg s19  }
0xb1: {  	[dreg:$0x3] =	wrdreg s2  }
0xb2: {  	[dreg:$0x4] =	wrdreg s4  }
0xb3: {  	[dreg:$0x5] =	wrdreg $0x9  }
0xb4: {  	_ =	task.clear_ibuf [dreg:s9], $0x6FFFF;
	_ =	strace $0x90000046  }
0xb5: {  	s29 =	simm.s32 $0x9;
	_ =	strace $0x80000048  }
0xb6: {  	_ =	swait.ge [sflag:s29], $0x1  }
0xb7: {  	[sflag:s29] =	ssyncadd.s32 $0xFFFFFFFF  }
0xb8: {  	_ =	strace $0x90000048  }
0xb9: {  	_ =	sfence  }
0xba: {  	s30 =	sld [smem:$0x0];
	_ =	sdelay $0x2  }
0xbb: {  	s31 =	sshll.u32 s1, $0xD;
	s1 =	sshrl.u32 s1, $0x2  }
0xbc: {  	s3 =	sand.u32 $0x4000, s31;
	s1 =	sadd.s32 s1, s30  }
0xbd: {  	s0 =	sor.u32 s3, s0;
	s1 =	sshll.u32 s1, $0x11  }
0xbe: {  	s0 =	sor.u32 s1, s0  }
0xbf: {  	s0 =	sadd.s32 $0x8F2B, s0  }
0xc0: {  	[sflag:s0] =	ssyncadd.remote.s32 $0x1  }
0xc1: {  	_ =	sfence.sel $0xFFFF  }
0xc2: {  	[dreg:$0x0] =	wrdreg $0xFFFFFFFF;
	(pc) =	sbr.abs _section_cstart, $3  }
0xc3: {  	[dreg:$0x1] =	wrdreg $0xFFFFFFFF  }
0xc4: {  	_ =	task.clear_ibuf [dreg:s9], $0x2FFFF;
	_ =	strace $0x9FFFFFFF  }
0xc5: {  	(tm) =	ssettm $0x7FFFFFFF  }
tec
execute0_lowered:
.L_overlay_start_1:
0x0: {  	(tag) =	ssettag $0x1  }
0x1: {  	s2 =	rddreg [dreg:$0x0]  }
0x2: {  	s0 =	rddreg [dreg:$0x1]  }
0x3: {  	s1 =	rddreg [dreg:$0x2];
	s3 =	srdreg.scid  }
0x4: {  	s6 =	stileid.u32;
	s25 =	simm.s32 $0x80;
	s26 =	simm.s32 $0x200  }
0x5: {  	s4 =	sand.u32 $0x1, s3;
	s5 =	sshll.u32 s6, $0x1;
	s6 =	sshll.u32 s6, $0x2  }
0x6: {  	s3 =	simm.s32 $0x0;
	s5 =	sor.u32 s4, s5;
	s6 =	sand.u32 $0x30, s6  }
0x7: {  	[smem:$0x7FF] =	sst s3;
	s7 =	sshll.u32 s5, $0x7;
	s0 =	sadd.s32 s0, s6  }
0x8: {  	s5 =	sshll.u32 s5, $0xF;
	_ =	strace $0x80000047;
	[dreg:$0x14] =	wrdreg s25  }
0x9: {  	[dreg:$0x15] =	wrdreg s26;
	s7 =	sand.u32 $0x380, s7;
	s8 =	sadd.s32 s1, s5  }
0xa: {  	s0 =	sadd.s32 s7, s0;
	[dreg:$0x16] =	wrdreg s8  }
0xb: {  	s9 =	sadd.s32 $0x800, s8;
	[dreg:$0x4] =	wrdreg s0  }
0xc: {  	s28 =	simm.s32 $0x9;
	s10 =	sadd.s32 $0x1000, s8;
	[dreg:$0x5] =	wrdreg s9  }
0xd: {  	s29 =	simm.s32 $0x4;
	s11 =	sadd.s32 $0x1800, s8;
	[dreg:$0x6] =	wrdreg s10  }
0xe: {  	s30 =	simm.s32 $0xA;
	s12 =	sadd.s32 $0x2000, s8;
	[dreg:$0x7] =	wrdreg s11  }
0xf: {  	s31 =	simm.s32 $0x11100;
	s13 =	sadd.s32 $0x2800, s8;
	[dreg:$0x8] =	wrdreg s12  }
0x10: {  	s20 =	ssub.s32 $0x2, s4;
	s14 =	sadd.s32 $0x3000, s8;
	[dreg:$0x9] =	wrdreg s13  }
0x11: {  	s4 =	sshrl.u32 s20, $0x1;
	s15 =	sadd.s32 $0x3800, s8;
	[dreg:$0xa] =	wrdreg s14  }
0x12: {  	s6 =	sadd.s32 $0x200, s2;
	s16 =	sadd.s32 $0x4000, s8;
	[dreg:$0xb] =	wrdreg s15  }
0x13: {  	s25 =	simm.s32 $0x3;
	s17 =	sadd.s32 $0x4800, s8;
	[dreg:$0xc] =	wrdreg s16  }
0x14: {  	s26 =	simm.s32 $0x4100;
	s18 =	sadd.s32 $0x5000, s8;
	[dreg:$0xd] =	wrdreg s17  }
0x15: {  	s1 =	ssub.s32 s20, s4;
	s19 =	sadd.s32 $0x5800, s8;
	[dreg:$0xe] =	wrdreg s18  }
0x16: {  	s5 =	sadd.s32 $0x100, s2;
	s21 =	sadd.s32 $0x6000, s8;
	[dreg:$0xf] =	wrdreg s19  }
0x17: {  	s4 =	simm.s32 $0x8100;
	s22 =	sadd.s32 $0x6800, s8;
	[dreg:$0x10] =	wrdreg s21  }
0x18: {  	s20 =	simm.s32 $0x10900;
	s23 =	sadd.s32 $0x7000, s8;
	[dreg:$0x11] =	wrdreg s22  }
0x19: {  	s24 =	sadd.s32 $0x7800, s8;
	s7 =	sadd.s32 $0x300, s2;
	[dreg:$0x12] =	wrdreg s23  }
0x1a: {  	s8 =	smax.u32 s1, $0x1;
	[dreg:$0x13] =	wrdreg s24;
	s16 =	simm.s32 $0x1  }
0x1b: {  	v2 =	vlaneseq.u32;
	s22 =	simm.s32 $0x7;
	s23 =	simm.s32 $0x2;
	s24 =	simm.s32 $0x8  }
0x1c: {  	vm0 =	vmmov $0xffff;
	v1 =	vshrl.u32 v2, $0x3;
	s18 =	simm.s32 $0x100;
	s9 =	simm.s32 $0xC100;
	s14 =	simm.s32 $0x11900  }
0x1d: {  	v0 =	vand.u32 $0x7, v2;
	v2 =	vor.u32 $0x8, v2;
	v1 =	vmul.u32 $0x8, v1;
	s15 =	simm.s32 $0x12100;
	s17 =	simm.s32 $0x16100;
	s19 =	simm.s32 $0x16900  }
.LBB2_1:
0x1e: {  	s11 =	rddreg [dreg:$0x4]  }
0x1f: {  	s12 =	rddreg [dreg:$0x14]  }
0x20: {  	s13 =	rddreg [dreg:$0x15];
	s10 =	simm.s32 $0xD  }
0x21: {  	[tilespmem:s3], [sflag:$0xD] =	stream.strided.gather [hbm4b:s11+s12], $0x100, s13, s12, $0x38;
	[tilespmem:$0x18100] =	vst v63  }
0x22: {  	_ =	swait.ge [sflag:s10], $0x100  }
0x23: {  	[sflag:s10] =	ssyncset.done $0x0  }
0x24: {  	[sflag:s10] =	ssyncadd.s32 $0xFFFFFF00  }
0x25: {  	v3 =	vld [tilespmem:$0x0];
	_ =	sdelay $0x4  }
0x26: {  	v4 =	vshll.u32 v3, $0x3  }
0x27: {  	v3 =	vand.u32 $0x7, v3;
	v4 =	vand.u32 $0xFFFFFFC0, v4  }
0x28: {  	v3 =	vor.u32 v3, v4  }
0x29: {  	v4 =	vperm.xlane v3, v0;
	_ =	sdelay $0x1  }
0x2a: {  	v4 =	vadd.s32 v1, v4;
	_ =	sdelay $0x4  }
0x2b: {  	[tilespmem:s18], [sflag:$0x1] =	stream.indirect_vreg.gather [hbm4b:s2+s3], $0x80, v4, vm0, $0xb8;
	[tilespmem:$0x18100] =	vst v63  }
0x2c: {  	s0 =	simm.s32 $0x900;
	v3 =	vperm.xlane v3, v2  }
0x2d: {  	[tilespmem:s0], [sflag:$0x1] =	stream.indirect_vreg.gather [hbm4b:s5+s3], $0x80, v4, vm0, $0xb8;
	[tilespmem:$0x18100] =	vst v63  }
0x2e: {  	s12 =	simm.s32 $0x1100;
	v3 =	vadd.s32 v1, v3  }
0x2f: {  	[tilespmem:s12], [sflag:$0x1] =	stream.indirect_vreg.gather [hbm4b:s6+s3], $0x80, v4, vm0, $0xb8;
	[tilespmem:$0x18100] =	vst v63  }
0x30: {  	s13 =	simm.s32 $0x1900  }
0x31: {  	[tilespmem:s13], [sflag:$0x1] =	stream.indirect_vreg.gather [hbm4b:s7+s3], $0x80, v4, vm0, $0xb8;
	[tilespmem:$0x18100] =	vst v63  }
0x32: {  	s21 =	simm.s32 $0x2100  }
0x33: {  	[tilespmem:s21], [sflag:$0x1] =	stream.indirect_vreg.gather [hbm4b:s2+s3], $0x80, v3, vm0, $0xb8;
	[tilespmem:$0x18100] =	vst v63  }
0x34: {  	s10 =	simm.s32 $0x2900  }
0x35: {  	[tilespmem:s10], [sflag:$0x1] =	stream.indirect_vreg.gather [hbm4b:s5+s3], $0x80, v3, vm0, $0xb8;
	[tilespmem:$0x18100] =	vst v63  }
0x36: {  	s11 =	simm.s32 $0x3100  }
0x37: {  	[tilespmem:s11], [sflag:$0x1] =	stream.indirect_vreg.gather [hbm4b:s6+s3], $0x80, v3, vm0, $0xb8;
	[tilespmem:$0x18100] =	vst v63  }
0x38: {  	s12 =	simm.s32 $0x3900  }
0x39: {  	[tilespmem:s12], [sflag:$0x1] =	stream.indirect_vreg.gather [hbm4b:s7+s3], $0x80, v3, vm0, $0xb8;
	[tilespmem:$0x18100] =	vst v63  }
0x3a: {  	v3 =	vld [tilespmem:$0x10];
	_ =	sdelay $0x4  }
0x3b: {  	v49 =	vshll.u32 v3, $0x3  }
0x3c: {  	v3 =	vand.u32 $0x7, v3;
	v4 =	vand.u32 $0xFFFFFFC0, v49  }
0x3d: {  	v3 =	vor.u32 v3, v4  }
0x3e: {  	v4 =	vperm.xlane v3, v0;
	_ =	sdelay $0x1  }
0x3f: {  	v4 =	vadd.s32 v1, v4;
	_ =	sdelay $0x4  }
0x40: {  	[tilespmem:s26], [sflag:$0x2] =	stream.indirect_vreg.gather [hbm4b:s2+s3], $0x80, v4, vm0, $0xb8;
	[tilespmem:$0x18100] =	vst v63  }
0x41: {  	s13 =	simm.s32 $0x4900;
	v3 =	vperm.xlane v3, v2  }
0x42: {  	[tilespmem:s13], [sflag:$0x2] =	stream.indirect_vreg.gather [hbm4b:s5+s3], $0x80, v4, vm0, $0xb8;
	[tilespmem:$0x18100] =	vst v63  }
0x43: {  	s10 =	simm.s32 $0x5100;
	v3 =	vadd.s32 v1, v3  }
0x44: {  	[tilespmem:s10], [sflag:$0x2] =	stream.indirect_vreg.gather [hbm4b:s6+s3], $0x80, v4, vm0, $0xb8;
	[tilespmem:$0x18100] =	vst v63  }
0x45: {  	s11 =	simm.s32 $0x5900  }
0x46: {  	[tilespmem:s11], [sflag:$0x2] =	stream.indirect_vreg.gather [hbm4b:s7+s3], $0x80, v4, vm0, $0xb8;
	[tilespmem:$0x18100] =	vst v63  }
0x47: {  	s12 =	simm.s32 $0x6100  }
0x48: {  	[tilespmem:s12], [sflag:$0x2] =	stream.indirect_vreg.gather [hbm4b:s2+s3], $0x80, v3, vm0, $0xb8;
	[tilespmem:$0x18100] =	vst v63  }
0x49: {  	s13 =	simm.s32 $0x6900  }
0x4a: {  	[tilespmem:s13], [sflag:$0x2] =	stream.indirect_vreg.gather [hbm4b:s5+s3], $0x80, v3, vm0, $0xb8;
	[tilespmem:$0x18100] =	vst v63  }
0x4b: {  	s10 =	simm.s32 $0x7100  }
0x4c: {  	[tilespmem:s10], [sflag:$0x2] =	stream.indirect_vreg.gather [hbm4b:s6+s3], $0x80, v3, vm0, $0xb8;
	[tilespmem:$0x18100] =	vst v63  }
0x4d: {  	s11 =	simm.s32 $0x7900  }
0x4e: {  	[tilespmem:s11], [sflag:$0x2] =	stream.indirect_vreg.gather [hbm4b:s7+s3], $0x80, v3, vm0, $0xb8;
	[tilespmem:$0x18100] =	vst v63  }
0x4f: {  	v3 =	vld [tilespmem:$0x20];
	_ =	sdelay $0x4  }
0x50: {  	v50 =	vshll.u32 v3, $0x3  }
0x51: {  	v3 =	vand.u32 $0x7, v3;
	v4 =	vand.u32 $0xFFFFFFC0, v50  }
0x52: {  	v3 =	vor.u32 v3, v4  }
0x53: {  	v4 =	vperm.xlane v3, v0;
	_ =	sdelay $0x1  }
0x54: {  	v4 =	vadd.s32 v1, v4;
	_ =	sdelay $0x4  }
0x55: {  	[tilespmem:s4], [sflag:$0x3] =	stream.indirect_vreg.gather [hbm4b:s2+s3], $0x80, v4, vm0, $0xb8;
	[tilespmem:$0x18100] =	vst v63  }
0x56: {  	s12 =	simm.s32 $0x8900;
	v3 =	vperm.xlane v3, v2  }
0x57: {  	[tilespmem:s12], [sflag:$0x3] =	stream.indirect_vreg.gather [hbm4b:s5+s3], $0x80, v4, vm0, $0xb8;
	[tilespmem:$0x18100] =	vst v63  }
0x58: {  	s13 =	simm.s32 $0x9100;
	v3 =	vadd.s32 v1, v3  }
0x59: {  	[tilespmem:s13], [sflag:$0x3] =	stream.indirect_vreg.gather [hbm4b:s6+s3], $0x80, v4, vm0, $0xb8;
	[tilespmem:$0x18100] =	vst v63  }
0x5a: {  	s10 =	simm.s32 $0x9900  }
0x5b: {  	[tilespmem:s10], [sflag:$0x3] =	stream.indirect_vreg.gather [hbm4b:s7+s3], $0x80, v4, vm0, $0xb8;
	[tilespmem:$0x18100] =	vst v63  }
0x5c: {  	s11 =	simm.s32 $0xA100  }
0x5d: {  	[tilespmem:s11], [sflag:$0x3] =	stream.indirect_vreg.gather [hbm4b:s2+s3], $0x80, v3, vm0, $0xb8;
	[tilespmem:$0x18100] =	vst v63  }
0x5e: {  	s12 =	simm.s32 $0xA900  }
0x5f: {  	[tilespmem:s12], [sflag:$0x3] =	stream.indirect_vreg.gather [hbm4b:s5+s3], $0x80, v3, vm0, $0xb8;
	[tilespmem:$0x18100] =	vst v63  }
0x60: {  	s13 =	simm.s32 $0xB100  }
0x61: {  	[tilespmem:s13], [sflag:$0x3] =	stream.indirect_vreg.gather [hbm4b:s6+s3], $0x80, v3, vm0, $0xb8;
	[tilespmem:$0x18100] =	vst v63  }
0x62: {  	s10 =	simm.s32 $0xB900  }
0x63: {  	[tilespmem:s10], [sflag:$0x3] =	stream.indirect_vreg.gather [hbm4b:s7+s3], $0x80, v3, vm0, $0xb8;
	[tilespmem:$0x18100] =	vst v63  }
0x64: {  	v3 =	vld [tilespmem:$0x30];
	_ =	sdelay $0x4  }
0x65: {  	v51 =	vshll.u32 v3, $0x3  }
0x66: {  	v3 =	vand.u32 $0x7, v3;
	v4 =	vand.u32 $0xFFFFFFC0, v51  }
0x67: {  	v3 =	vor.u32 v3, v4  }
0x68: {  	v4 =	vperm.xlane v3, v0;
	_ =	sdelay $0x1  }
0x69: {  	v4 =	vadd.s32 v1, v4;
	_ =	sdelay $0x4  }
0x6a: {  	[tilespmem:s9], [sflag:$0x4] =	stream.indirect_vreg.gather [hbm4b:s2+s3], $0x80, v4, vm0, $0xb8;
	[tilespmem:$0x18100] =	vst v63  }
0x6b: {  	s11 =	simm.s32 $0xC900;
	v3 =	vperm.xlane v3, v2  }
0x6c: {  	[tilespmem:s11], [sflag:$0x4] =	stream.indirect_vreg.gather [hbm4b:s5+s3], $0x80, v4, vm0, $0xb8;
	[tilespmem:$0x18100] =	vst v63  }
0x6d: {  	s12 =	simm.s32 $0xD100;
	v3 =	vadd.s32 v1, v3  }
0x6e: {  	[tilespmem:s12], [sflag:$0x4] =	stream.indirect_vreg.gather [hbm4b:s6+s3], $0x80, v4, vm0, $0xb8;
	[tilespmem:$0x18100] =	vst v63  }
0x6f: {  	s13 =	simm.s32 $0xD900  }
0x70: {  	[tilespmem:s13], [sflag:$0x4] =	stream.indirect_vreg.gather [hbm4b:s7+s3], $0x80, v4, vm0, $0xb8;
	[tilespmem:$0x18100] =	vst v63  }
0x71: {  	s10 =	simm.s32 $0xE100  }
0x72: {  	[tilespmem:s10], [sflag:$0x4] =	stream.indirect_vreg.gather [hbm4b:s2+s3], $0x80, v3, vm0, $0xb8;
	[tilespmem:$0x18100] =	vst v63  }
0x73: {  	s11 =	simm.s32 $0xE900  }
0x74: {  	[tilespmem:s11], [sflag:$0x4] =	stream.indirect_vreg.gather [hbm4b:s5+s3], $0x80, v3, vm0, $0xb8;
	[tilespmem:$0x18100] =	vst v63  }
0x75: {  	s12 =	simm.s32 $0xF100  }
0x76: {  	[tilespmem:s12], [sflag:$0x4] =	stream.indirect_vreg.gather [hbm4b:s6+s3], $0x80, v3, vm0, $0xb8;
	[tilespmem:$0x18100] =	vst v63  }
0x77: {  	s13 =	simm.s32 $0xF900  }
0x78: {  	[tilespmem:s13], [sflag:$0x4] =	stream.indirect_vreg.gather [hbm4b:s7+s3], $0x80, v3, vm0, $0xb8;
	[tilespmem:$0x18100] =	vst v63  }
0x79: {  	v3 =	vld [tilespmem:$0x40];
	_ =	sdelay $0x4  }
0x7a: {  	v52 =	vshll.u32 v3, $0x3  }
0x7b: {  	v3 =	vand.u32 $0x7, v3;
	v4 =	vand.u32 $0xFFFFFFC0, v52  }
0x7c: {  	v3 =	vor.u32 v3, v4  }
0x7d: {  	v4 =	vperm.xlane v3, v0;
	_ =	sdelay $0x1  }
0x7e: {  	v4 =	vadd.s32 v1, v4;
	_ =	sdelay $0x3  }
0x7f: {  	s10 =	simm.s32 $0x10100  }
0x80: {  	[tilespmem:s10], [sflag:$0x5] =	stream.indirect_vreg.gather [hbm4b:s2+s3], $0x80, v4, vm0, $0xb8;
	[tilespmem:$0x18100] =	vst v63  }
0x81: {  	v3 =	vperm.xlane v3, v2  }
0x82: {  	[tilespmem:s20], [sflag:$0x5] =	stream.indirect_vreg.gather [hbm4b:s5+s3], $0x80, v4, vm0, $0xb8;
	[tilespmem:$0x18100] =	vst v63  }
0x83: {  	v3 =	vadd.s32 v1, v3  }
0x84: {  	[tilespmem:s31], [sflag:$0x5] =	stream.indirect_vreg.gather [hbm4b:s6+s3], $0x80, v4, vm0, $0xb8;
	[tilespmem:$0x18100] =	vst v63  }
0x85: {  	_ = 	snop  }
0x86: {  	[tilespmem:s14], [sflag:$0x5] =	stream.indirect_vreg.gather [hbm4b:s7+s3], $0x80, v4, vm0, $0xb8;
	[tilespmem:$0x18100] =	vst v63  }
0x87: {  	_ = 	snop  }
0x88: {  	[tilespmem:s15], [sflag:$0x5] =	stream.indirect_vreg.gather [hbm4b:s2+s3], $0x80, v3, vm0, $0xb8;
	[tilespmem:$0x18100] =	vst v63  }
0x89: {  	s10 =	simm.s32 $0x12900  }
0x8a: {  	[tilespmem:s10], [sflag:$0x5] =	stream.indirect_vreg.gather [hbm4b:s5+s3], $0x80, v3, vm0, $0xb8;
	[tilespmem:$0x18100] =	vst v63  }
0x8b: {  	s12 =	simm.s32 $0x13100  }
0x8c: {  	[tilespmem:s12], [sflag:$0x5] =	stream.indirect_vreg.gather [hbm4b:s6+s3], $0x80, v3, vm0, $0xb8;
	[tilespmem:$0x18100] =	vst v63  }
0x8d: {  	s13 =	simm.s32 $0x13900  }
0x8e: {  	[tilespmem:s13], [sflag:$0x5] =	stream.indirect_vreg.gather [hbm4b:s7+s3], $0x80, v3, vm0, $0xb8;
	[tilespmem:$0x18100] =	vst v63  }
0x8f: {  	v3 =	vld [tilespmem:$0x50];
	_ =	sdelay $0x4  }
0x90: {  	v53 =	vshll.u32 v3, $0x3  }
0x91: {  	v3 =	vand.u32 $0x7, v3;
	v4 =	vand.u32 $0xFFFFFFC0, v53  }
0x92: {  	v3 =	vor.u32 v3, v4  }
0x93: {  	v4 =	vperm.xlane v3, v0;
	_ =	sdelay $0x1  }
0x94: {  	v4 =	vadd.s32 v1, v4;
	_ =	sdelay $0x3  }
0x95: {  	s11 =	simm.s32 $0x14100  }
0x96: {  	[tilespmem:s11], [sflag:$0x6] =	stream.indirect_vreg.gather [hbm4b:s2+s3], $0x80, v4, vm0, $0xb8;
	[tilespmem:$0x18100] =	vst v63  }
0x97: {  	v3 =	vperm.xlane v3, v2;
	s11 =	simm.s32 $0x14900  }
0x98: {  	[tilespmem:s11], [sflag:$0x6] =	stream.indirect_vreg.gather [hbm4b:s5+s3], $0x80, v4, vm0, $0xb8;
	[tilespmem:$0x18100] =	vst v63  }
0x99: {  	v3 =	vadd.s32 v1, v3;
	s11 =	simm.s32 $0x15100  }
0x9a: {  	[tilespmem:s11], [sflag:$0x6] =	stream.indirect_vreg.gather [hbm4b:s6+s3], $0x80, v4, vm0, $0xb8;
	[tilespmem:$0x18100] =	vst v63  }
0x9b: {  	s11 =	simm.s32 $0x15900  }
0x9c: {  	[tilespmem:s11], [sflag:$0x6] =	stream.indirect_vreg.gather [hbm4b:s7+s3], $0x80, v4, vm0, $0xb8;
	[tilespmem:$0x18100] =	vst v63  }
0x9d: {  	_ = 	snop  }
0x9e: {  	[tilespmem:s17], [sflag:$0x6] =	stream.indirect_vreg.gather [hbm4b:s2+s3], $0x80, v3, vm0, $0xb8;
	[tilespmem:$0x18100] =	vst v63  }
0x9f: {  	_ = 	snop  }
0xa0: {  	[tilespmem:s19], [sflag:$0x6] =	stream.indirect_vreg.gather [hbm4b:s5+s3], $0x80, v3, vm0, $0xb8;
	[tilespmem:$0x18100] =	vst v63  }
0xa1: {  	s11 =	simm.s32 $0x17100  }
0xa2: {  	[tilespmem:s11], [sflag:$0x6] =	stream.indirect_vreg.gather [hbm4b:s6+s3], $0x80, v3, vm0, $0xb8;
	[tilespmem:$0x18100] =	vst v63  }
0xa3: {  	s11 =	simm.s32 $0x17900  }
0xa4: {  	[tilespmem:s11], [sflag:$0x6] =	stream.indirect_vreg.gather [hbm4b:s7+s3], $0x80, v3, vm0, $0xb8;
	[tilespmem:$0x18100] =	vst v63  }
0xa5: {  	_ =	swait.ge [sflag:s16], $0x4000  }
0xa6: {  	[sflag:s16] =	ssyncset.done $0x0  }
0xa7: {  	s0 =	rddreg [dreg:$0x16];
	[sflag:s16] =	ssyncadd.s32 $0xFFFFC000  }
0xa8: {  	[hbm4b:s0+s3] =	stream.linear.scatter [tilespmem:s18], [sflag:$0x7], $0x4000, $0x38;
	[tilespmem:$0x18100] =	vst v63  }
0xa9: {  	_ =	swait.ge [sflag:s22], $0x4000  }
0xaa: {  	[sflag:s22] =	ssyncset.done $0x0  }
0xab: {  	[sflag:s22] =	ssyncadd.s32 $0xFFFFC000  }
0xac: {  	v3 =	vld [tilespmem:$0x60];
	_ =	sdelay $0x4  }
0xad: {  	v54 =	vshll.u32 v3, $0x3  }
0xae: {  	v3 =	vand.u32 $0x7, v3;
	v4 =	vand.u32 $0xFFFFFFC0, v54  }
0xaf: {  	v3 =	vor.u32 v3, v4  }
0xb0: {  	v4 =	vperm.xlane v3, v0;
	_ =	sdelay $0x1  }
0xb1: {  	v4 =	vadd.s32 v1, v4;
	_ =	sdelay $0x4  }
0xb2: {  	[tilespmem:s18], [sflag:$0x1] =	stream.indirect_vreg.gather [hbm4b:s2+s3], $0x80, v4, vm0, $0xb8;
	[tilespmem:$0x18100] =	vst v63  }
0xb3: {  	s1 =	simm.s32 $0x900;
	v3 =	vperm.xlane v3, v2  }
0xb4: {  	[tilespmem:s1], [sflag:$0x1] =	stream.indirect_vreg.gather [hbm4b:s5+s3], $0x80, v4, vm0, $0xb8;
	[tilespmem:$0x18100] =	vst v63  }
0xb5: {  	s11 =	simm.s32 $0x1100;
	v3 =	vadd.s32 v1, v3  }
0xb6: {  	[tilespmem:s11], [sflag:$0x1] =	stream.indirect_vreg.gather [hbm4b:s6+s3], $0x80, v4, vm0, $0xb8;
	[tilespmem:$0x18100] =	vst v63  }
0xb7: {  	s1 =	simm.s32 $0x1900  }
0xb8: {  	[tilespmem:s1], [sflag:$0x1] =	stream.indirect_vreg.gather [hbm4b:s7+s3], $0x80, v4, vm0, $0xb8;
	[tilespmem:$0x18100] =	vst v63  }
0xb9: {  	s11 =	simm.s32 $0x2100  }
0xba: {  	[tilespmem:s11], [sflag:$0x1] =	stream.indirect_vreg.gather [hbm4b:s2+s3], $0x80, v3, vm0, $0xb8;
	[tilespmem:$0x18100] =	vst v63  }
0xbb: {  	s1 =	simm.s32 $0x2900  }
0xbc: {  	[tilespmem:s1], [sflag:$0x1] =	stream.indirect_vreg.gather [hbm4b:s5+s3], $0x80, v3, vm0, $0xb8;
	[tilespmem:$0x18100] =	vst v63  }
0xbd: {  	s11 =	simm.s32 $0x3100  }
0xbe: {  	[tilespmem:s11], [sflag:$0x1] =	stream.indirect_vreg.gather [hbm4b:s6+s3], $0x80, v3, vm0, $0xb8;
	[tilespmem:$0x18100] =	vst v63  }
0xbf: {  	s21 =	simm.s32 $0x3900  }
0xc0: {  	[tilespmem:s21], [sflag:$0x1] =	stream.indirect_vreg.gather [hbm4b:s7+s3], $0x80, v3, vm0, $0xb8;
	[tilespmem:$0x18100] =	vst v63  }
0xc1: {  	_ =	swait.ge [sflag:s23], $0x4000  }
0xc2: {  	[sflag:s23] =	ssyncset.done $0x0  }
0xc3: {  	s1 =	rddreg [dreg:$0x5];
	[sflag:s23] =	ssyncadd.s32 $0xFFFFC000  }
0xc4: {  	[hbm4b:s1+s3] =	stream.linear.scatter [tilespmem:s26], [sflag:$0x8], $0x4000, $0x38;
	[tilespmem:$0x18100] =	vst v63  }
0xc5: {  	_ =	swait.ge [sflag:s24], $0x4000  }
0xc6: {  	[sflag:s24] =	ssyncset.done $0x0  }
0xc7: {  	[sflag:s24] =	ssyncadd.s32 $0xFFFFC000  }
0xc8: {  	v3 =	vld [tilespmem:$0x70];
	_ =	sdelay $0x4  }
0xc9: {  	v55 =	vshll.u32 v3, $0x3  }
0xca: {  	v3 =	vand.u32 $0x7, v3;
	v4 =	vand.u32 $0xFFFFFFC0, v55  }
0xcb: {  	v3 =	vor.u32 v3, v4  }
0xcc: {  	v4 =	vperm.xlane v3, v0;
	_ =	sdelay $0x1  }
0xcd: {  	v4 =	vadd.s32 v1, v4;
	_ =	sdelay $0x4  }
0xce: {  	[tilespmem:s26], [sflag:$0x2] =	stream.indirect_vreg.gather [hbm4b:s2+s3], $0x80, v4, vm0, $0xb8;
	[tilespmem:$0x18100] =	vst v63  }
0xcf: {  	s21 =	simm.s32 $0x4900;
	v3 =	vperm.xlane v3, v2  }
0xd0: {  	[tilespmem:s21], [sflag:$0x2] =	stream.indirect_vreg.gather [hbm4b:s5+s3], $0x80, v4, vm0, $0xb8;
	[tilespmem:$0x18100] =	vst v63  }
0xd1: {  	s1 =	simm.s32 $0x5100;
	v3 =	vadd.s32 v1, v3  }
0xd2: {  	[tilespmem:s1], [sflag:$0x2] =	stream.indirect_vreg.gather [hbm4b:s6+s3], $0x80, v4, vm0, $0xb8;
	[tilespmem:$0x18100] =	vst v63  }
0xd3: {  	s11 =	simm.s32 $0x5900  }
0xd4: {  	[tilespmem:s11], [sflag:$0x2] =	stream.indirect_vreg.gather [hbm4b:s7+s3], $0x80, v4, vm0, $0xb8;
	[tilespmem:$0x18100] =	vst v63  }
0xd5: {  	s21 =	simm.s32 $0x6100  }
0xd6: {  	[tilespmem:s21], [sflag:$0x2] =	stream.indirect_vreg.gather [hbm4b:s2+s3], $0x80, v3, vm0, $0xb8;
	[tilespmem:$0x18100] =	vst v63  }
0xd7: {  	s1 =	simm.s32 $0x6900  }
0xd8: {  	[tilespmem:s1], [sflag:$0x2] =	stream.indirect_vreg.gather [hbm4b:s5+s3], $0x80, v3, vm0, $0xb8;
	[tilespmem:$0x18100] =	vst v63  }
0xd9: {  	s11 =	simm.s32 $0x7100  }
0xda: {  	[tilespmem:s11], [sflag:$0x2] =	stream.indirect_vreg.gather [hbm4b:s6+s3], $0x80, v3, vm0, $0xb8;
	[tilespmem:$0x18100] =	vst v63  }
0xdb: {  	s21 =	simm.s32 $0x7900  }
0xdc: {  	[tilespmem:s21], [sflag:$0x2] =	stream.indirect_vreg.gather [hbm4b:s7+s3], $0x80, v3, vm0, $0xb8;
	[tilespmem:$0x18100] =	vst v63  }
0xdd: {  	_ =	swait.ge [sflag:s25], $0x4000  }
0xde: {  	[sflag:s25] =	ssyncset.done $0x0  }
0xdf: {  	s1 =	rddreg [dreg:$0x6];
	[sflag:s25] =	ssyncadd.s32 $0xFFFFC000  }
0xe0: {  	[hbm4b:s1+s3] =	stream.linear.scatter [tilespmem:s4], [sflag:$0x9], $0x4000, $0x38;
	[tilespmem:$0x18100] =	vst v63  }
0xe1: {  	_ =	swait.ge [sflag:s28], $0x4000  }
0xe2: {  	[sflag:s28] =	ssyncset.done $0x0  }
0xe3: {  	[sflag:s28] =	ssyncadd.s32 $0xFFFFC000  }
0xe4: {  	v3 =	vld [tilespmem:$0x80];
	_ =	sdelay $0x4  }
0xe5: {  	v56 =	vshll.u32 v3, $0x3  }
0xe6: {  	v3 =	vand.u32 $0x7, v3;
	v4 =	vand.u32 $0xFFFFFFC0, v56  }
0xe7: {  	v3 =	vor.u32 v3, v4  }
0xe8: {  	v4 =	vperm.xlane v3, v0;
	_ =	sdelay $0x1  }
0xe9: {  	v4 =	vadd.s32 v1, v4;
	_ =	sdelay $0x4  }
0xea: {  	[tilespmem:s4], [sflag:$0x3] =	stream.indirect_vreg.gather [hbm4b:s2+s3], $0x80, v4, vm0, $0xb8;
	[tilespmem:$0x18100] =	vst v63  }
0xeb: {  	s21 =	simm.s32 $0x8900;
	v3 =	vperm.xlane v3, v2  }
0xec: {  	[tilespmem:s21], [sflag:$0x3] =	stream.indirect_vreg.gather [hbm4b:s5+s3], $0x80, v4, vm0, $0xb8;
	[tilespmem:$0x18100] =	vst v63  }
0xed: {  	s1 =	simm.s32 $0x9100;
	v3 =	vadd.s32 v1, v3  }
0xee: {  	[tilespmem:s1], [sflag:$0x3] =	stream.indirect_vreg.gather [hbm4b:s6+s3], $0x80, v4, vm0, $0xb8;
	[tilespmem:$0x18100] =	vst v63  }
0xef: {  	s11 =	simm.s32 $0x9900  }
0xf0: {  	[tilespmem:s11], [sflag:$0x3] =	stream.indirect_vreg.gather [hbm4b:s7+s3], $0x80, v4, vm0, $0xb8;
	[tilespmem:$0x18100] =	vst v63  }
0xf1: {  	s21 =	simm.s32 $0xA100  }
0xf2: {  	[tilespmem:s21], [sflag:$0x3] =	stream.indirect_vreg.gather [hbm4b:s2+s3], $0x80, v3, vm0, $0xb8;
	[tilespmem:$0x18100] =	vst v63  }
0xf3: {  	s1 =	simm.s32 $0xA900  }
0xf4: {  	[tilespmem:s1], [sflag:$0x3] =	stream.indirect_vreg.gather [hbm4b:s5+s3], $0x80, v3, vm0, $0xb8;
	[tilespmem:$0x18100] =	vst v63  }
0xf5: {  	s11 =	simm.s32 $0xB100  }
0xf6: {  	[tilespmem:s11], [sflag:$0x3] =	stream.indirect_vreg.gather [hbm4b:s6+s3], $0x80, v3, vm0, $0xb8;
	[tilespmem:$0x18100] =	vst v63  }
0xf7: {  	s21 =	simm.s32 $0xB900  }
0xf8: {  	[tilespmem:s21], [sflag:$0x3] =	stream.indirect_vreg.gather [hbm4b:s7+s3], $0x80, v3, vm0, $0xb8;
	[tilespmem:$0x18100] =	vst v63  }
0xf9: {  	_ =	swait.ge [sflag:s29], $0x4000  }
0xfa: {  	[sflag:s29] =	ssyncset.done $0x0  }
0xfb: {  	s1 =	rddreg [dreg:$0x7];
	[sflag:s29] =	ssyncadd.s32 $0xFFFFC000  }
0xfc: {  	[hbm4b:s1+s3] =	stream.linear.scatter [tilespmem:s9], [sflag:$0xA], $0x4000, $0x38;
	[tilespmem:$0x18100] =	vst v63  }
0xfd: {  	_ =	swait.ge [sflag:s30], $0x4000  }
0xfe: {  	[sflag:s30] =	ssyncset.done $0x0  }
0xff: {  	[sflag:s30] =	ssyncadd.s32 $0xFFFFC000  }
0x100: {  	v3 =	vld [tilespmem:$0x90];
	_ =	sdelay $0x4  }
0x101: {  	v57 =	vshll.u32 v3, $0x3  }
0x102: {  	v3 =	vand.u32 $0x7, v3;
	v4 =	vand.u32 $0xFFFFFFC0, v57  }
0x103: {  	v3 =	vor.u32 v3, v4  }
0x104: {  	v4 =	vperm.xlane v3, v0;
	_ =	sdelay $0x1  }
0x105: {  	v4 =	vadd.s32 v1, v4;
	_ =	sdelay $0x4  }
0x106: {  	[tilespmem:s9], [sflag:$0x4] =	stream.indirect_vreg.gather [hbm4b:s2+s3], $0x80, v4, vm0, $0xb8;
	[tilespmem:$0x18100] =	vst v63  }
0x107: {  	s21 =	simm.s32 $0xC900;
	v3 =	vperm.xlane v3, v2  }
0x108: {  	[tilespmem:s21], [sflag:$0x4] =	stream.indirect_vreg.gather [hbm4b:s5+s3], $0x80, v4, vm0, $0xb8;
	[tilespmem:$0x18100] =	vst v63  }
0x109: {  	s1 =	simm.s32 $0xD100;
	v3 =	vadd.s32 v1, v3  }
0x10a: {  	[tilespmem:s1], [sflag:$0x4] =	stream.indirect_vreg.gather [hbm4b:s6+s3], $0x80, v4, vm0, $0xb8;
	[tilespmem:$0x18100] =	vst v63  }
0x10b: {  	s11 =	simm.s32 $0xD900  }
0x10c: {  	[tilespmem:s11], [sflag:$0x4] =	stream.indirect_vreg.gather [hbm4b:s7+s3], $0x80, v4, vm0, $0xb8;
	[tilespmem:$0x18100] =	vst v63  }
0x10d: {  	s21 =	simm.s32 $0xE100  }
0x10e: {  	[tilespmem:s21], [sflag:$0x4] =	stream.indirect_vreg.gather [hbm4b:s2+s3], $0x80, v3, vm0, $0xb8;
	[tilespmem:$0x18100] =	vst v63  }
0x10f: {  	s1 =	simm.s32 $0xE900  }
0x110: {  	[tilespmem:s1], [sflag:$0x4] =	stream.indirect_vreg.gather [hbm4b:s5+s3], $0x80, v3, vm0, $0xb8;
	[tilespmem:$0x18100] =	vst v63  }
0x111: {  	s11 =	simm.s32 $0xF100  }
0x112: {  	[tilespmem:s11], [sflag:$0x4] =	stream.indirect_vreg.gather [hbm4b:s6+s3], $0x80, v3, vm0, $0xb8;
	[tilespmem:$0x18100] =	vst v63  }
0x113: {  	s0 =	simm.s32 $0x5;
	s21 =	simm.s32 $0xF900  }
0x114: {  	[tilespmem:s21], [sflag:$0x4] =	stream.indirect_vreg.gather [hbm4b:s7+s3], $0x80, v3, vm0, $0xb8;
	[tilespmem:$0x18100] =	vst v63  }
0x115: {  	_ =	swait.ge [sflag:s0], $0x4000  }
0x116: {  	[sflag:s0] =	ssyncset.done $0x0  }
0x117: {  	s21 =	simm.s32 $0x10100;
	s1 =	rddreg [dreg:$0x8];
	[sflag:s0] =	ssyncadd.s32 $0xFFFFC000  }
0x118: {  	[hbm4b:s1+s3] =	stream.linear.scatter [tilespmem:s21], [sflag:$0xB], $0x4000, $0x38;
	[tilespmem:$0x18100] =	vst v63  }
0x119: {  	s1 =	simm.s32 $0xB  }
0x11a: {  	_ =	swait.ge [sflag:s1], $0x4000  }
0x11b: {  	[sflag:s1] =	ssyncset.done $0x0  }
0x11c: {  	[sflag:s1] =	ssyncadd.s32 $0xFFFFC000  }
0x11d: {  	v3 =	vld [tilespmem:$0xA0];
	_ =	sdelay $0x4  }
0x11e: {  	v58 =	vshll.u32 v3, $0x3  }
0x11f: {  	v3 =	vand.u32 $0x7, v3;
	v4 =	vand.u32 $0xFFFFFFC0, v58  }
0x120: {  	v3 =	vor.u32 v3, v4  }
0x121: {  	v4 =	vperm.xlane v3, v0;
	_ =	sdelay $0x1  }
0x122: {  	v4 =	vadd.s32 v1, v4;
	_ =	sdelay $0x4  }
0x123: {  	[tilespmem:s21], [sflag:$0x5] =	stream.indirect_vreg.gather [hbm4b:s2+s3], $0x80, v4, vm0, $0xb8;
	[tilespmem:$0x18100] =	vst v63  }
0x124: {  	v3 =	vperm.xlane v3, v2  }
0x125: {  	[tilespmem:s20], [sflag:$0x5] =	stream.indirect_vreg.gather [hbm4b:s5+s3], $0x80, v4, vm0, $0xb8;
	[tilespmem:$0x18100] =	vst v63  }
0x126: {  	v3 =	vadd.s32 v1, v3  }
0x127: {  	[tilespmem:s31], [sflag:$0x5] =	stream.indirect_vreg.gather [hbm4b:s6+s3], $0x80, v4, vm0, $0xb8;
	[tilespmem:$0x18100] =	vst v63  }
0x128: {  	_ = 	snop  }
0x129: {  	[tilespmem:s14], [sflag:$0x5] =	stream.indirect_vreg.gather [hbm4b:s7+s3], $0x80, v4, vm0, $0xb8;
	[tilespmem:$0x18100] =	vst v63  }
0x12a: {  	_ = 	snop  }
0x12b: {  	[tilespmem:s15], [sflag:$0x5] =	stream.indirect_vreg.gather [hbm4b:s2+s3], $0x80, v3, vm0, $0xb8;
	[tilespmem:$0x18100] =	vst v63  }
0x12c: {  	_ = 	snop  }
0x12d: {  	[tilespmem:s10], [sflag:$0x5] =	stream.indirect_vreg.gather [hbm4b:s5+s3], $0x80, v3, vm0, $0xb8;
	[tilespmem:$0x18100] =	vst v63  }
0x12e: {  	_ = 	snop  }
0x12f: {  	[tilespmem:s12], [sflag:$0x5] =	stream.indirect_vreg.gather [hbm4b:s6+s3], $0x80, v3, vm0, $0xb8;
	[tilespmem:$0x18100] =	vst v63  }
0x130: {  	s10 =	simm.s32 $0x6  }
0x131: {  	[tilespmem:s13], [sflag:$0x5] =	stream.indirect_vreg.gather [hbm4b:s7+s3], $0x80, v3, vm0, $0xb8;
	[tilespmem:$0x18100] =	vst v63  }
0x132: {  	_ =	swait.ge [sflag:s10], $0x4000  }
0x133: {  	[sflag:s10] =	ssyncset.done $0x0  }
0x134: {  	s13 =	simm.s32 $0x14100;
	s12 =	rddreg [dreg:$0x9];
	[sflag:s10] =	ssyncadd.s32 $0xFFFFC000  }
0x135: {  	[hbm4b:s12+s3] =	stream.linear.scatter [tilespmem:s13], [sflag:$0xC], $0x4000, $0x38;
	[tilespmem:$0x18100] =	vst v63  }
0x136: {  	s12 =	simm.s32 $0xC  }
0x137: {  	_ =	swait.ge [sflag:s12], $0x4000  }
0x138: {  	[sflag:s12] =	ssyncset.done $0x0  }
0x139: {  	[sflag:s12] =	ssyncadd.s32 $0xFFFFC000  }
0x13a: {  	v3 =	vld [tilespmem:$0xB0];
	_ =	sdelay $0x4  }
0x13b: {  	v59 =	vshll.u32 v3, $0x3  }
0x13c: {  	v3 =	vand.u32 $0x7, v3;
	v4 =	vand.u32 $0xFFFFFFC0, v59  }
0x13d: {  	v3 =	vor.u32 v3, v4  }
0x13e: {  	v4 =	vperm.xlane v3, v0;
	_ =	sdelay $0x1  }
0x13f: {  	v4 =	vadd.s32 v1, v4;
	_ =	sdelay $0x4  }
0x140: {  	[tilespmem:s13], [sflag:$0x6] =	stream.indirect_vreg.gather [hbm4b:s2+s3], $0x80, v4, vm0, $0xb8;
	[tilespmem:$0x18100] =	vst v63  }
0x141: {  	s11 =	simm.s32 $0x14900;
	v3 =	vperm.xlane v3, v2  }
0x142: {  	[tilespmem:s11], [sflag:$0x6] =	stream.indirect_vreg.gather [hbm4b:s5+s3], $0x80, v4, vm0, $0xb8;
	[tilespmem:$0x18100] =	vst v63  }
0x143: {  	v3 =	vadd.s32 v1, v3;
	s11 =	simm.s32 $0x15100  }
0x144: {  	[tilespmem:s11], [sflag:$0x6] =	stream.indirect_vreg.gather [hbm4b:s6+s3], $0x80, v4, vm0, $0xb8;
	[tilespmem:$0x18100] =	vst v63  }
0x145: {  	s11 =	simm.s32 $0x15900  }
0x146: {  	[tilespmem:s11], [sflag:$0x6] =	stream.indirect_vreg.gather [hbm4b:s7+s3], $0x80, v4, vm0, $0xb8;
	[tilespmem:$0x18100] =	vst v63  }
0x147: {  	_ = 	snop  }
0x148: {  	[tilespmem:s17], [sflag:$0x6] =	stream.indirect_vreg.gather [hbm4b:s2+s3], $0x80, v3, vm0, $0xb8;
	[tilespmem:$0x18100] =	vst v63  }
0x149: {  	_ = 	snop  }
0x14a: {  	[tilespmem:s19], [sflag:$0x6] =	stream.indirect_vreg.gather [hbm4b:s5+s3], $0x80, v3, vm0, $0xb8;
	[tilespmem:$0x18100] =	vst v63  }
0x14b: {  	s11 =	simm.s32 $0x17100  }
0x14c: {  	[tilespmem:s11], [sflag:$0x6] =	stream.indirect_vreg.gather [hbm4b:s6+s3], $0x80, v3, vm0, $0xb8;
	[tilespmem:$0x18100] =	vst v63  }
0x14d: {  	s11 =	simm.s32 $0x17900  }
0x14e: {  	[tilespmem:s11], [sflag:$0x6] =	stream.indirect_vreg.gather [hbm4b:s7+s3], $0x80, v3, vm0, $0xb8;
	[tilespmem:$0x18100] =	vst v63  }
0x14f: {  	_ =	swait.ge [sflag:s16], $0x4000  }
0x150: {  	[sflag:s16] =	ssyncset.done $0x0  }
0x151: {  	s11 =	rddreg [dreg:$0xa];
	[sflag:s16] =	ssyncadd.s32 $0xFFFFC000  }
0x152: {  	[hbm4b:s11+s3] =	stream.linear.scatter [tilespmem:s18], [sflag:$0x7], $0x4000, $0x38;
	[tilespmem:$0x18100] =	vst v63  }
0x153: {  	_ =	swait.ge [sflag:s22], $0x4000  }
0x154: {  	[sflag:s22] =	ssyncset.done $0x0  }
0x155: {  	[sflag:s22] =	ssyncadd.s32 $0xFFFFC000  }
0x156: {  	v3 =	vld [tilespmem:$0xC0];
	_ =	sdelay $0x4  }
0x157: {  	v60 =	vshll.u32 v3, $0x3  }
0x158: {  	v3 =	vand.u32 $0x7, v3;
	v4 =	vand.u32 $0xFFFFFFC0, v60  }
0x159: {  	v3 =	vor.u32 v3, v4  }
0x15a: {  	v4 =	vperm.xlane v3, v0;
	_ =	sdelay $0x1  }
0x15b: {  	v4 =	vadd.s32 v1, v4;
	_ =	sdelay $0x4  }
0x15c: {  	[tilespmem:s18], [sflag:$0x1] =	stream.indirect_vreg.gather [hbm4b:s2+s3], $0x80, v4, vm0, $0xb8;
	[tilespmem:$0x18100] =	vst v63  }
0x15d: {  	s11 =	simm.s32 $0x900;
	v3 =	vperm.xlane v3, v2  }
0x15e: {  	[tilespmem:s11], [sflag:$0x1] =	stream.indirect_vreg.gather [hbm4b:s5+s3], $0x80, v4, vm0, $0xb8;
	[tilespmem:$0x18100] =	vst v63  }
0x15f: {  	v3 =	vadd.s32 v1, v3;
	s11 =	simm.s32 $0x1100  }
0x160: {  	[tilespmem:s11], [sflag:$0x1] =	stream.indirect_vreg.gather [hbm4b:s6+s3], $0x80, v4, vm0, $0xb8;
	[tilespmem:$0x18100] =	vst v63  }
0x161: {  	s11 =	simm.s32 $0x1900  }
0x162: {  	[tilespmem:s11], [sflag:$0x1] =	stream.indirect_vreg.gather [hbm4b:s7+s3], $0x80, v4, vm0, $0xb8;
	[tilespmem:$0x18100] =	vst v63  }
0x163: {  	s11 =	simm.s32 $0x2100  }
0x164: {  	[tilespmem:s11], [sflag:$0x1] =	stream.indirect_vreg.gather [hbm4b:s2+s3], $0x80, v3, vm0, $0xb8;
	[tilespmem:$0x18100] =	vst v63  }
0x165: {  	s11 =	simm.s32 $0x2900  }
0x166: {  	[tilespmem:s11], [sflag:$0x1] =	stream.indirect_vreg.gather [hbm4b:s5+s3], $0x80, v3, vm0, $0xb8;
	[tilespmem:$0x18100] =	vst v63  }
0x167: {  	s11 =	simm.s32 $0x3100  }
0x168: {  	[tilespmem:s11], [sflag:$0x1] =	stream.indirect_vreg.gather [hbm4b:s6+s3], $0x80, v3, vm0, $0xb8;
	[tilespmem:$0x18100] =	vst v63  }
0x169: {  	s11 =	simm.s32 $0x3900  }
0x16a: {  	[tilespmem:s11], [sflag:$0x1] =	stream.indirect_vreg.gather [hbm4b:s7+s3], $0x80, v3, vm0, $0xb8;
	[tilespmem:$0x18100] =	vst v63  }
0x16b: {  	_ =	swait.ge [sflag:s23], $0x4000  }
0x16c: {  	[sflag:s23] =	ssyncset.done $0x0  }
0x16d: {  	s11 =	rddreg [dreg:$0xb];
	[sflag:s23] =	ssyncadd.s32 $0xFFFFC000  }
0x16e: {  	[hbm4b:s11+s3] =	stream.linear.scatter [tilespmem:s26], [sflag:$0x8], $0x4000, $0x38;
	[tilespmem:$0x18100] =	vst v63  }
0x16f: {  	_ =	swait.ge [sflag:s24], $0x4000  }
0x170: {  	[sflag:s24] =	ssyncset.done $0x0  }
0x171: {  	[sflag:s24] =	ssyncadd.s32 $0xFFFFC000  }
0x172: {  	v3 =	vld [tilespmem:$0xD0];
	_ =	sdelay $0x4  }
0x173: {  	v61 =	vshll.u32 v3, $0x3  }
0x174: {  	v3 =	vand.u32 $0x7, v3;
	v4 =	vand.u32 $0xFFFFFFC0, v61  }
0x175: {  	v3 =	vor.u32 v3, v4  }
0x176: {  	v4 =	vperm.xlane v3, v0;
	_ =	sdelay $0x1  }
0x177: {  	v4 =	vadd.s32 v1, v4;
	_ =	sdelay $0x4  }
0x178: {  	[tilespmem:s26], [sflag:$0x2] =	stream.indirect_vreg.gather [hbm4b:s2+s3], $0x80, v4, vm0, $0xb8;
	[tilespmem:$0x18100] =	vst v63  }
0x179: {  	s11 =	simm.s32 $0x4900;
	v3 =	vperm.xlane v3, v2  }
0x17a: {  	[tilespmem:s11], [sflag:$0x2] =	stream.indirect_vreg.gather [hbm4b:s5+s3], $0x80, v4, vm0, $0xb8;
	[tilespmem:$0x18100] =	vst v63  }
0x17b: {  	v3 =	vadd.s32 v1, v3;
	s11 =	simm.s32 $0x5100  }
0x17c: {  	[tilespmem:s11], [sflag:$0x2] =	stream.indirect_vreg.gather [hbm4b:s6+s3], $0x80, v4, vm0, $0xb8;
	[tilespmem:$0x18100] =	vst v63  }
0x17d: {  	s11 =	simm.s32 $0x5900  }
0x17e: {  	[tilespmem:s11], [sflag:$0x2] =	stream.indirect_vreg.gather [hbm4b:s7+s3], $0x80, v4, vm0, $0xb8;
	[tilespmem:$0x18100] =	vst v63  }
0x17f: {  	s11 =	simm.s32 $0x6100  }
0x180: {  	[tilespmem:s11], [sflag:$0x2] =	stream.indirect_vreg.gather [hbm4b:s2+s3], $0x80, v3, vm0, $0xb8;
	[tilespmem:$0x18100] =	vst v63  }
0x181: {  	s11 =	simm.s32 $0x6900  }
0x182: {  	[tilespmem:s11], [sflag:$0x2] =	stream.indirect_vreg.gather [hbm4b:s5+s3], $0x80, v3, vm0, $0xb8;
	[tilespmem:$0x18100] =	vst v63  }
0x183: {  	s11 =	simm.s32 $0x7100  }
0x184: {  	[tilespmem:s11], [sflag:$0x2] =	stream.indirect_vreg.gather [hbm4b:s6+s3], $0x80, v3, vm0, $0xb8;
	[tilespmem:$0x18100] =	vst v63  }
0x185: {  	s11 =	simm.s32 $0x7900  }
0x186: {  	[tilespmem:s11], [sflag:$0x2] =	stream.indirect_vreg.gather [hbm4b:s7+s3], $0x80, v3, vm0, $0xb8;
	[tilespmem:$0x18100] =	vst v63  }
0x187: {  	_ =	swait.ge [sflag:s25], $0x4000  }
0x188: {  	[sflag:s25] =	ssyncset.done $0x0  }
0x189: {  	s11 =	rddreg [dreg:$0xc];
	[sflag:s25] =	ssyncadd.s32 $0xFFFFC000  }
0x18a: {  	[hbm4b:s11+s3] =	stream.linear.scatter [tilespmem:s4], [sflag:$0x9], $0x4000, $0x38;
	[tilespmem:$0x18100] =	vst v63  }
0x18b: {  	_ =	swait.ge [sflag:s28], $0x4000  }
0x18c: {  	[sflag:s28] =	ssyncset.done $0x0  }
0x18d: {  	[sflag:s28] =	ssyncadd.s32 $0xFFFFC000  }
0x18e: {  	v3 =	vld [tilespmem:$0xE0];
	_ =	sdelay $0x4  }
0x18f: {  	v62 =	vshll.u32 v3, $0x3  }
0x190: {  	v3 =	vand.u32 $0x7, v3;
	v4 =	vand.u32 $0xFFFFFFC0, v62  }
0x191: {  	v3 =	vor.u32 v3, v4  }
0x192: {  	v4 =	vperm.xlane v3, v0;
	_ =	sdelay $0x1  }
0x193: {  	v4 =	vadd.s32 v1, v4;
	_ =	sdelay $0x4  }
0x194: {  	[tilespmem:s4], [sflag:$0x3] =	stream.indirect_vreg.gather [hbm4b:s2+s3], $0x80, v4, vm0, $0xb8;
	[tilespmem:$0x18100] =	vst v63  }
0x195: {  	s11 =	simm.s32 $0x8900;
	v3 =	vperm.xlane v3, v2  }
0x196: {  	[tilespmem:s11], [sflag:$0x3] =	stream.indirect_vreg.gather [hbm4b:s5+s3], $0x80, v4, vm0, $0xb8;
	[tilespmem:$0x18100] =	vst v63  }
0x197: {  	v3 =	vadd.s32 v1, v3;
	s11 =	simm.s32 $0x9100  }
0x198: {  	[tilespmem:s11], [sflag:$0x3] =	stream.indirect_vreg.gather [hbm4b:s6+s3], $0x80, v4, vm0, $0xb8;
	[tilespmem:$0x18100] =	vst v63  }
0x199: {  	s11 =	simm.s32 $0x9900  }
0x19a: {  	[tilespmem:s11], [sflag:$0x3] =	stream.indirect_vreg.gather [hbm4b:s7+s3], $0x80, v4, vm0, $0xb8;
	[tilespmem:$0x18100] =	vst v63  }
0x19b: {  	s11 =	simm.s32 $0xA100  }
0x19c: {  	[tilespmem:s11], [sflag:$0x3] =	stream.indirect_vreg.gather [hbm4b:s2+s3], $0x80, v3, vm0, $0xb8;
	[tilespmem:$0x18100] =	vst v63  }
0x19d: {  	s11 =	simm.s32 $0xA900  }
0x19e: {  	[tilespmem:s11], [sflag:$0x3] =	stream.indirect_vreg.gather [hbm4b:s5+s3], $0x80, v3, vm0, $0xb8;
	[tilespmem:$0x18100] =	vst v63  }
0x19f: {  	s11 =	simm.s32 $0xB100  }
0x1a0: {  	[tilespmem:s11], [sflag:$0x3] =	stream.indirect_vreg.gather [hbm4b:s6+s3], $0x80, v3, vm0, $0xb8;
	[tilespmem:$0x18100] =	vst v63  }
0x1a1: {  	s11 =	simm.s32 $0xB900  }
0x1a2: {  	[tilespmem:s11], [sflag:$0x3] =	stream.indirect_vreg.gather [hbm4b:s7+s3], $0x80, v3, vm0, $0xb8;
	[tilespmem:$0x18100] =	vst v63  }
0x1a3: {  	_ =	swait.ge [sflag:s29], $0x4000  }
0x1a4: {  	[sflag:s29] =	ssyncset.done $0x0  }
0x1a5: {  	s11 =	rddreg [dreg:$0xd];
	[sflag:s29] =	ssyncadd.s32 $0xFFFFC000  }
0x1a6: {  	[hbm4b:s11+s3] =	stream.linear.scatter [tilespmem:s9], [sflag:$0xA], $0x4000, $0x38;
	[tilespmem:$0x18100] =	vst v63  }
0x1a7: {  	_ =	swait.ge [sflag:s30], $0x4000  }
0x1a8: {  	[sflag:s30] =	ssyncset.done $0x0  }
0x1a9: {  	[sflag:s30] =	ssyncadd.s32 $0xFFFFC000  }
0x1aa: {  	v3 =	vld [tilespmem:$0xF0];
	_ =	sdelay $0x4  }
0x1ab: {  	v63 =	vshll.u32 v3, $0x3  }
0x1ac: {  	v3 =	vand.u32 $0x7, v3;
	v4 =	vand.u32 $0xFFFFFFC0, v63  }
0x1ad: {  	v3 =	vor.u32 v3, v4  }
0x1ae: {  	v4 =	vperm.xlane v3, v0;
	_ =	sdelay $0x1  }
0x1af: {  	v4 =	vadd.s32 v1, v4;
	_ =	sdelay $0x4  }
0x1b0: {  	[tilespmem:s9], [sflag:$0x4] =	stream.indirect_vreg.gather [hbm4b:s2+s3], $0x80, v4, vm0, $0xb8;
	[tilespmem:$0x18100] =	vst v63  }
0x1b1: {  	s11 =	simm.s32 $0xC900;
	v3 =	vperm.xlane v3, v2  }
0x1b2: {  	[tilespmem:s11], [sflag:$0x4] =	stream.indirect_vreg.gather [hbm4b:s5+s3], $0x80, v4, vm0, $0xb8;
	[tilespmem:$0x18100] =	vst v63  }
0x1b3: {  	v3 =	vadd.s32 v1, v3;
	s11 =	simm.s32 $0xD100  }
0x1b4: {  	[tilespmem:s11], [sflag:$0x4] =	stream.indirect_vreg.gather [hbm4b:s6+s3], $0x80, v4, vm0, $0xb8;
	[tilespmem:$0x18100] =	vst v63  }
0x1b5: {  	s11 =	simm.s32 $0xD900  }
0x1b6: {  	[tilespmem:s11], [sflag:$0x4] =	stream.indirect_vreg.gather [hbm4b:s7+s3], $0x80, v4, vm0, $0xb8;
	[tilespmem:$0x18100] =	vst v63  }
0x1b7: {  	s11 =	simm.s32 $0xE100  }
0x1b8: {  	[tilespmem:s11], [sflag:$0x4] =	stream.indirect_vreg.gather [hbm4b:s2+s3], $0x80, v3, vm0, $0xb8;
	[tilespmem:$0x18100] =	vst v63  }
0x1b9: {  	s11 =	simm.s32 $0xE900  }
0x1ba: {  	[tilespmem:s11], [sflag:$0x4] =	stream.indirect_vreg.gather [hbm4b:s5+s3], $0x80, v3, vm0, $0xb8;
	[tilespmem:$0x18100] =	vst v63  }
0x1bb: {  	s11 =	simm.s32 $0xF100  }
0x1bc: {  	[tilespmem:s11], [sflag:$0x4] =	stream.indirect_vreg.gather [hbm4b:s6+s3], $0x80, v3, vm0, $0xb8;
	[tilespmem:$0x18100] =	vst v63  }
0x1bd: {  	s11 =	simm.s32 $0xF900  }
0x1be: {  	[tilespmem:s11], [sflag:$0x4] =	stream.indirect_vreg.gather [hbm4b:s7+s3], $0x80, v3, vm0, $0xb8;
	[tilespmem:$0x18100] =	vst v63  }
0x1bf: {  	_ =	swait.ge [sflag:s0], $0x4000  }
0x1c0: {  	[sflag:s0] =	ssyncset.done $0x0  }
0x1c1: {  	s21 =	simm.s32 $0x10100;
	s11 =	rddreg [dreg:$0xe];
	[sflag:s0] =	ssyncadd.s32 $0xFFFFC000  }
0x1c2: {  	[hbm4b:s11+s3] =	stream.linear.scatter [tilespmem:s21], [sflag:$0xB], $0x4000, $0x38;
	[tilespmem:$0x18100] =	vst v63  }
0x1c3: {  	_ =	swait.ge [sflag:s10], $0x4000  }
0x1c4: {  	[sflag:s10] =	ssyncset.done $0x0  }
0x1c5: {  	s13 =	simm.s32 $0x14100;
	s21 =	rddreg [dreg:$0xf];
	[sflag:s10] =	ssyncadd.s32 $0xFFFFC000  }
0x1c6: {  	[hbm4b:s21+s3] =	stream.linear.scatter [tilespmem:s13], [sflag:$0xC], $0x4000, $0x38;
	[tilespmem:$0x18100] =	vst v63  }
0x1c7: {  	_ =	swait.ge [sflag:s16], $0x4000  }
0x1c8: {  	[sflag:s16] =	ssyncset.done $0x0  }
0x1c9: {  	s0 =	rddreg [dreg:$0x10];
	[sflag:s16] =	ssyncadd.s32 $0xFFFFC000  }
0x1ca: {  	[hbm4b:s0+s3] =	stream.linear.scatter [tilespmem:s18], [sflag:$0x7], $0x4000, $0x38;
	[tilespmem:$0x18100] =	vst v63  }
0x1cb: {  	_ =	swait.ge [sflag:s23], $0x4000  }
0x1cc: {  	[sflag:s23] =	ssyncset.done $0x0  }
0x1cd: {  	s10 =	rddreg [dreg:$0x11];
	[sflag:s23] =	ssyncadd.s32 $0xFFFFC000  }
0x1ce: {  	[hbm4b:s10+s3] =	stream.linear.scatter [tilespmem:s26], [sflag:$0x8], $0x4000, $0x38;
	[tilespmem:$0x18100] =	vst v63  }
0x1cf: {  	_ =	swait.ge [sflag:s25], $0x4000  }
0x1d0: {  	[sflag:s25] =	ssyncset.done $0x0  }
0x1d1: {  	s13 =	rddreg [dreg:$0x12];
	[sflag:s25] =	ssyncadd.s32 $0xFFFFC000  }
0x1d2: {  	[hbm4b:s13+s3] =	stream.linear.scatter [tilespmem:s4], [sflag:$0x9], $0x4000, $0x38;
	[tilespmem:$0x18100] =	vst v63  }
0x1d3: {  	_ =	swait.ge [sflag:s29], $0x4000  }
0x1d4: {  	[sflag:s29] =	ssyncset.done $0x0  }
0x1d5: {  	s21 =	rddreg [dreg:$0x13];
	[sflag:s29] =	ssyncadd.s32 $0xFFFFC000  }
0x1d6: {  	[hbm4b:s21+s3] =	stream.linear.scatter [tilespmem:s9], [sflag:$0xA], $0x4000, $0x38;
	[tilespmem:$0x18100] =	vst v63  }
0x1d7: {  	_ =	swait.ge [sflag:s1], $0x4000  }
0x1d8: {  	[sflag:s1] =	ssyncset.done $0x0  }
0x1d9: {  	[sflag:s1] =	ssyncadd.s32 $0xFFFFC000  }
0x1da: {  	_ =	swait.ge [sflag:s12], $0x4000  }
0x1db: {  	[sflag:s12] =	ssyncset.done $0x0  }
0x1dc: {  	[sflag:s12] =	ssyncadd.s32 $0xFFFFC000  }
0x1dd: {  	_ =	swait.ge [sflag:s22], $0x4000  }
0x1de: {  	[sflag:s22] =	ssyncset.done $0x0  }
0x1df: {  	[sflag:s22] =	ssyncadd.s32 $0xFFFFC000  }
0x1e0: {  	_ =	swait.ge [sflag:s24], $0x4000  }
0x1e1: {  	[sflag:s24] =	ssyncset.done $0x0  }
0x1e2: {  	[sflag:s24] =	ssyncadd.s32 $0xFFFFC000  }
0x1e3: {  	p0 =	sne.s32 s8, $0x1;
	_ =	swait.ge [sflag:s28], $0x4000  }
.Ltmp0:
0x1e4: {  	[sflag:s28] =	ssyncset.done $0x0;
	(pc) =	sbr.rel @p0 .LBB2_1-.Ltmp0, $4  }
0x1e5: {  	[sflag:s28] =	ssyncadd.s32 $0xFFFFC000  }
0x1e6: {  	_ =	swait.ge [sflag:s30], $0x4000  }
0x1e7: {  	[sflag:s30] =	ssyncset.done $0x0  }
0x1e8: {  	s8 =	sadd.s32 $0xFFFFFFFF, s8;
	[sflag:s30] =	ssyncadd.s32 $0xFFFFC000  }
0x1e9: {  	_ =	sfence.sel $0x180000  }
0x1ea: {  	[bflag:$0x0] =	sbarrier.arrive $0xFFFF  }
0x1eb: {  	_ =	strace $0x90000047  }
0x1ec: {  	s0 =	stileid.u32;
	[bflag:$0x2] =	sbarrier.arrive $0xFFFF  }
0x1ed: {  	p0 =	sne.s32 s0, $0x0;
	s0 =	rddreg [dreg:$0x3]  }
0x1ee: {  	s0 =	sadd.s32 @!p0 $0x100000, s0  }
0x1ef: {  	[sflag:s0] =	ssyncadd.tile.s32 @!p0 $0x1;
	_ =	shalt  }
.Lfunc_end2:
_tile_overlayer_lowered:
.L_overlay_start_2:
0x1f0: {  	(tag) =	ssettag $0x2  }
0x1f1: {  	s0 =	rddreg [dreg:$0x0];
	s2 =	stileid.u32  }
0x1f2: {  	s1 =	rddreg [dreg:$0x1];
	p0 =	sne.s32 s2, $0x0  }
0x1f3: {  	s3 =	rddreg [dreg:$0x2];
	[bflag:$0x3] =	sbarrier.arrive $0xFFFF;
	s2 =	simm.s32 @!p0 $0x1C0D  }
0x1f4: {  	[timem:s3], [sflag:s2] =	dma.local @!p0 [hbm:s0], s1  }
0x1f5: {  	s0 =	simm.s32 @!p0 $0xD  }
0x1f6: {  	_ =	swait.ge @!p0 [sflag:s0], s1  }
0x1f7: {  	s1 =	ssub.s32 @!p0 $0x0, s1;
	[sflag:s0] =	ssyncset.done @!p0 $0x0  }
0x1f8: {  	[sflag:s0] =	ssyncadd.s32 @!p0 s1  }
0x1f9: {  	[bflag:$0x3] =	sbarrier.arrive $0xFFFF  }
0x1fa: {  	_ =	shalt  }

</sc_bundles>
